<compile_context>
chip_gen: v7x
topology: tpu7x:2x2x1
jax: 0.10.2.dev20260603
libtpu: 0.0.44.dev20260713+nightly
codegen_flags: <defaults>
</compile_context>

<pallas_src>
import functools

import jax
import jax.numpy as jnp
from jax import lax
from jax.experimental import pallas as pl
from jax.experimental.pallas import tpu as pltpu
from jax.experimental.pallas import tpu_sc as plsc

N = 10000
E = 320000
EPS = 1e-5

_NC = 2
_NS = 16
_P = 10112
_SLAB = _P // _NS
_DUMP = _P - 1
_EPAD = 327680

_CHD = 128
_NCHD = 80
_NBD = 5

_CHA = 128
_PCH = 20
_NBA = 2
_PH_HEAVY = 7
_PH_LIGHT = 1
_NE_HEAVY = _NS * _PH_HEAVY * _PCH * _CHA
_NE_LIGHT = _NS * _PH_LIGHT * _PCH * _CHA

_BM = 400
_GRID = N // _BM

_mesh = plsc.VectorSubcoreMesh(core_axis_name="c", subcore_axis_name="s")



@functools.partial(
    pl.kernel,
    out_type=jax.ShapeDtypeStruct((_NC, _P, 128), jnp.float32),
    mesh=_mesh,
    scratch_types=[
        pltpu.VMEM_SHARED((_P, 128), jnp.float32),
        pltpu.VMEM((_NCHD, _CHD), jnp.int32),
        pltpu.VMEM((_CHD, 128), jnp.float32),
        pltpu.SemaphoreType.DMA,
    ],
)
def _sc_degree(dst_hbm, ones_hbm, z128_hbm, out_hbm, sh, dsti, onesb, sem):
    c = lax.axis_index("c")
    s = lax.axis_index("s")
    lo = s * _SLAB
    pltpu.sync_copy(dst_hbm.at[c, s], dsti)
    pltpu.sync_copy(z128_hbm, sh.at[pl.ds(lo, _SLAB)])
    pltpu.sync_copy(ones_hbm, onesb)
    plsc.subcore_barrier()

    def body(g, carry):
        base = g * _NBD
        for b in range(_NBD):
            pltpu.async_copy(onesb, sh.at[dsti.at[base + b]], sem, add=True)
        for b in range(_NBD):
            pltpu.make_async_copy(onesb, sh.at[dsti.at[base + b]], sem).wait()
        return carry

    lax.fori_loop(0, _NCHD // _NBD, body, 0)
    plsc.subcore_barrier()
    pltpu.sync_copy(sh.at[pl.ds(lo, _SLAB)], out_hbm.at[c, pl.ds(lo, _SLAB)])


@functools.partial(
    pl.kernel,
    out_type=jax.ShapeDtypeStruct((_NC, _P, 128), jnp.float32),
    mesh=_mesh,
    scratch_types=[
        pltpu.VMEM_SHARED((_P, 128), jnp.float32),
        pltpu.VMEM((_PCH, _CHA), jnp.int32),
        pltpu.VMEM((_PCH, _CHA), jnp.int32),
        pltpu.VMEM((_NBA, _CHA, 128), jnp.float32),
        pltpu.SemaphoreType.DMA((_NBA,)),
        pltpu.SemaphoreType.DMA((_NBA,)),
    ],
)
def _sc_aggregate(x_hbm, src_hbm, dst_hbm, z128_hbm, out_hbm, sh,
                  srci, dsti, rows, sem_g, sem_s):
    c = lax.axis_index("c")
    s = lax.axis_index("s")
    lo = s * _SLAB
    nph = lax.select(c == 0, _PH_LIGHT, _PH_HEAVY)
    pltpu.sync_copy(z128_hbm, sh.at[pl.ds(lo, _SLAB)])
    plsc.subcore_barrier()

    def phase(p, carry):
        @pl.when(p < nph)
        def _():
            pltpu.sync_copy(src_hbm.at[c, s, p], srci)
            pltpu.sync_copy(dst_hbm.at[c, s, p], dsti)

            def rnd(r, cc):
                base = r * _NBA
                for b in range(_NBA):
                    @pl.when(r > 0)
                    def _():
                        pltpu.make_async_copy(
                            rows.at[b], sh.at[dsti.at[base - _NBA + b]],
                            sem_s.at[b]).wait()
                    pltpu.async_copy(x_hbm.at[srci.at[base + b]], rows.at[b],
                                     sem_g.at[b])
                for b in range(_NBA):
                    pltpu.make_async_copy(
                        x_hbm.at[srci.at[base + b]], rows.at[b],
                        sem_g.at[b]).wait()
                    pltpu.async_copy(rows.at[b], sh.at[dsti.at[base + b]],
                                     sem_s.at[b], add=True)
                return cc

            lax.fori_loop(0, _PCH // _NBA, rnd, 0)
            for b in range(_NBA):
                pltpu.make_async_copy(
                    rows.at[b], sh.at[dsti.at[_PCH - _NBA + b]],
                    sem_s.at[b]).wait()

        return carry

    lax.fori_loop(0, _PH_HEAVY, phase, 0)
    plsc.subcore_barrier()
    pltpu.sync_copy(sh.at[pl.ds(lo, _SLAB)], out_hbm.at[c, pl.ds(lo, _SLAB)])



def _dinv_block(d0, d1):
    deg = d0[0, :, :1] + d1[0, :, :1] + 1.0
    return lax.rsqrt(deg)


def _prescale_kernel(us_ref, uy_ref, d0_ref, d1_ref, ls_ref):
    dinv = _dinv_block(d0_ref, d1_ref)
    ls_ref[...] = jnp.concatenate([us_ref[...], uy_ref[...]], axis=1) * dinv


def _layer1_kernel(a0_ref, a1_ref, ls_ref, d0_ref, d1_ref, w_ref, b_ref,
                   h_ref, sum_ref, sq_ref):
    dinv = _dinv_block(d0_ref, d1_ref)
    t = (a0_ref[0] + a1_ref[0] + ls_ref[...]) * dinv
    h = jnp.dot(t, w_ref[...], preferred_element_type=jnp.float32) + b_ref[...]
    h_ref[...] = h
    cs = jnp.sum(h, axis=0, keepdims=True)
    cq = jnp.sum(h * h, axis=0, keepdims=True)
    i = pl.program_id(0)

    @pl.when(i == 0)
    def _():
        sum_ref[...] = cs
        sq_ref[...] = cq

    @pl.when(i > 0)
    def _():
        sum_ref[...] += cs
        sq_ref[...] += cq


def _layer2a_kernel(h_ref, sc_ref, sh_ref, w_ref, d0_ref, d1_ref, xs_ref):
    dinv = _dinv_block(d0_ref, d1_ref)
    h = jnp.maximum(h_ref[...] * sc_ref[...] + sh_ref[...], 0.0)
    xs_ref[...] = jnp.dot(h, w_ref[...],
                          preferred_element_type=jnp.float32) * dinv


def _final_kernel(a0_ref, a1_ref, xs_ref, d0_ref, d1_ref, b_ref,
                  h_ref, sum_ref, sq_ref):
    dinv = _dinv_block(d0_ref, d1_ref)
    h = (a0_ref[0] + a1_ref[0] + xs_ref[...]) * dinv + b_ref[...]
    h_ref[...] = h
    cs = jnp.sum(h, axis=0, keepdims=True)
    cq = jnp.sum(h * h, axis=0, keepdims=True)
    i = pl.program_id(0)

    @pl.when(i == 0)
    def _():
        sum_ref[...] = cs
        sq_ref[...] = cq

    @pl.when(i > 0)
    def _():
        sum_ref[...] += cs
        sq_ref[...] += cq


def _affine_kernel(h_ref, sc_ref, sh_ref, o_ref):
    o_ref[...] = h_ref[...] * sc_ref[...] + sh_ref[...]


def _row_spec(d):
    return pl.BlockSpec((_BM, d), lambda i: (i, 0))


def _agg_specs():
    return [
        pl.BlockSpec((1, _BM, 128), lambda i: (0, i, 0)),
        pl.BlockSpec((1, _BM, 128), lambda i: (1, i, 0)),
    ]


def _full_spec(shape):
    nd = len(shape)
    return pl.BlockSpec(shape, lambda i: (0,) * nd)


def _bn_scale_shift(ssum, ssq, g, be):
    mean = ssum[0] / N
    var = jnp.maximum(ssq[0] / N - mean * mean, 0.0)
    scale = g / jnp.sqrt(var + EPS)
    shift = be - mean * scale
    return scale[None, :], shift[None, :]


def kernel(edge_index, u_S, u_Y, W1, b1, W2, b2, g1, be1, g2, be2):
    src = edge_index[0].astype(jnp.int32)
    dst = edge_index[1].astype(jnp.int32)
    dst_p = jnp.concatenate([dst, jnp.full((_EPAD - E,), _DUMP, jnp.int32)])
    dst_d = dst_p.reshape(_NC, _NS, _NCHD, _CHD)

    def _split_uneven(flat, pad_val):
        ne_h = min(E, _NE_HEAVY)
        heavy = jnp.concatenate(
            [flat[:ne_h], jnp.full((_NE_HEAVY - ne_h,), pad_val, jnp.int32)]
        ).reshape(_NS, _PH_HEAVY, _PCH, _CHA)
        light = jnp.concatenate(
            [flat[ne_h:], jnp.full((_NE_LIGHT - (E - ne_h),), pad_val,
                                   jnp.int32)]
        ).reshape(_NS, _PH_LIGHT, _PCH, _CHA)
        light = jnp.pad(
            light, ((0, 0), (0, _PH_HEAVY - _PH_LIGHT), (0, 0), (0, 0)),
            constant_values=pad_val)
        return jnp.stack([light, heavy])

    src_a = _split_uneven(src, 0)
    dst_a = _split_uneven(dst, _DUMP)

    ones128 = jnp.ones((_CHD, 128), jnp.float32)
    z128 = jnp.zeros((_SLAB, 128), jnp.float32)

    degp = _sc_degree(dst_d, ones128, z128)

    ls = pl.pallas_call(
        _prescale_kernel,
        grid=(_GRID,),
        in_specs=[_row_spec(64), _row_spec(64)] + _agg_specs(),
        out_specs=_row_spec(128),
        out_shape=jax.ShapeDtypeStruct((N, 128), jnp.float32),
    )(u_S, u_Y, degp, degp)

    agg1 = _sc_aggregate(ls, src_a, dst_a, z128)

    h1, s1, q1 = pl.pallas_call(
        _layer1_kernel,
        grid=(_GRID,),
        in_specs=_agg_specs() + [_row_spec(128)] + _agg_specs()
        + [_full_spec((128, 256)), _full_spec((1, 256))],
        out_specs=[_row_spec(256), _full_spec((1, 256)), _full_spec((1, 256))],
        out_shape=[
            jax.ShapeDtypeStruct((N, 256), jnp.float32),
            jax.ShapeDtypeStruct((1, 256), jnp.float32),
            jax.ShapeDtypeStruct((1, 256), jnp.float32),
        ],
    )(agg1, agg1, ls, degp, degp, W1, b1[None, :])

    sc1, sh1 = _bn_scale_shift(s1, q1, g1, be1)

    xs2 = pl.pallas_call(
        _layer2a_kernel,
        grid=(_GRID,),
        in_specs=[_row_spec(256), _full_spec((1, 256)), _full_spec((1, 256)),
                  _full_spec((256, 128))] + _agg_specs(),
        out_specs=_row_spec(128),
        out_shape=jax.ShapeDtypeStruct((N, 128), jnp.float32),
    )(h1, sc1, sh1, W2, degp, degp)

    agg2 = _sc_aggregate(xs2, src_a, dst_a, z128)

    h2, s2, q2 = pl.pallas_call(
        _final_kernel,
        grid=(_GRID,),
        in_specs=_agg_specs() + [_row_spec(128)] + _agg_specs()
        + [_full_spec((1, 128))],
        out_specs=[_row_spec(128), _full_spec((1, 128)), _full_spec((1, 128))],
        out_shape=[
            jax.ShapeDtypeStruct((N, 128), jnp.float32),
            jax.ShapeDtypeStruct((1, 128), jnp.float32),
            jax.ShapeDtypeStruct((1, 128), jnp.float32),
        ],
    )(agg2, agg2, xs2, degp, degp, b2[None, :])

    sc2, sh2 = _bn_scale_shift(s2, q2, g2, be2)

    out = pl.pallas_call(
        _affine_kernel,
        grid=(_GRID,),
        in_specs=[_row_spec(128), _full_spec((1, 128)), _full_spec((1, 128))],
        out_specs=_row_spec(128),
        out_shape=jax.ShapeDtypeStruct((N, 128), jnp.float32),
    )(h2, sc2, sh2)

    return out

# --- scband reference (transcript-rebuilt; emitter-appended) ---
"""Pipeline reference for scband-x-decoder-12137577578916 (READ-ONLY COPY).

The authoritative reference and input builder live on the scoring server;
editing this copy changes nothing except your own understanding.
"""

import jax, jax.numpy as jnp
import numpy as np

N_NODES = 10000
N_EDGES = 320000
D_IN = 128
D_HID = 256
D_OUT = 128


def gcn_conv(x, edge_index, W, b):
    N = x.shape[0]
    loops = jnp.arange(N, dtype=edge_index.dtype)
    src = jnp.concatenate([edge_index[0], loops])
    dst = jnp.concatenate([edge_index[1], loops])
    x = x @ W
    deg = jax.ops.segment_sum(jnp.ones(src.shape[0], dtype=x.dtype), dst, num_segments=N)
    dinv = jnp.where(deg > 0, deg ** -0.5, 0.0)
    norm = dinv[src] * dinv[dst]
    msgs = jnp.take(x, src, axis=0) * norm[:, None]
    out = jax.ops.segment_sum(msgs, dst, num_segments=N)
    return out + b


def batchnorm(x, gamma, beta, eps=1e-5):
    mean = jnp.mean(x, axis=0)
    var = jnp.var(x, axis=0)
    return (x - mean) / jnp.sqrt(var + eps) * gamma + beta


def setup_inputs(seed: int = 0) -> dict:
    key = jax.random.key(seed)
    ks = jax.random.split(key, 8)
    edge_index = jax.random.randint(ks[0], (2, N_EDGES), 0, N_NODES, dtype=jnp.int64)
    u_S = jax.random.normal(ks[1], (N_NODES, 64), dtype=jnp.float32)
    u_Y = jax.random.normal(ks[2], (N_NODES, 64), dtype=jnp.float32)
    W1 = jax.random.normal(ks[3], (D_IN, D_HID), dtype=jnp.float32) * (1.0 / np.sqrt(D_IN))
    b1 = jnp.zeros((D_HID,), dtype=jnp.float32)
    W2 = jax.random.normal(ks[4], (D_HID, D_OUT), dtype=jnp.float32) * (1.0 / np.sqrt(D_HID))
    b2 = jnp.zeros((D_OUT,), dtype=jnp.float32)
    g1 = jnp.ones((D_HID,), dtype=jnp.float32)
    be1 = jnp.zeros((D_HID,), dtype=jnp.float32)
    g2 = jnp.ones((D_OUT,), dtype=jnp.float32)
    be2 = jnp.zeros((D_OUT,), dtype=jnp.float32)
    return {"edge_index": edge_index, "u_S": u_S, "u_Y": u_Y, "W1": W1, "b1": b1,
            "W2": W2, "b2": b2, "g1": g1, "be1": be1, "g2": g2, "be2": be2}


def reference(edge_index, u_S, u_Y, W1, b1, W2, b2, g1, be1, g2, be2):
    latent = jnp.concatenate([u_S, u_Y], axis=1)
    h = gcn_conv(latent, edge_index, W1, b1)
    h = batchnorm(h, g1, be1)
    h = jax.nn.relu(h)
    h = gcn_conv(h, edge_index, W2, b2)
    h = batchnorm(h, g2, be2)
    return h

if __name__ == "__main__":
    import jax
    _d = setup_inputs()
    print(jax.jit(kernel)(*tuple(_d.values())))

</pallas_src>

<mosaic_0001>
#map = affine_map<(d0, d1) -> (0, 0, 0, 0)>
#map1 = affine_map<(d0, d1) -> (0, 0)>
#map2 = affine_map<(d0, d1) -> (0, 0, 0)>
module attributes {stable_mosaic.version = 14 : i64} {
  func.func @_sc_degree(%arg0: i32, %arg1: i32, %arg2: memref<2x16x80x128xi32, #tpu.memory_space<hbm>>, %arg3: memref<128x128xf32, #tpu.memory_space<hbm>>, %arg4: memref<632x128xf32, #tpu.memory_space<hbm>>, %arg5: memref<2x10112x128xf32, #tpu.memory_space<hbm>>, %arg6: memref<10112x128xf32, #tpu.memory_space<vmem_shared>>, %arg7: memref<80x128xi32, #tpu.memory_space<vmem>>, %arg8: memref<128x128xf32, #tpu.memory_space<vmem>>, %arg9: memref<!tpu.dma_semaphore, #tpu.memory_space<semaphore_mem>>) attributes {dimension_semantics = [#tpu.dimension_semantics<core_parallel>, #tpu.dimension_semantics<subcore_parallel>], iteration_bounds = array<i64: 2, 16>, scalar_prefetch = 0 : i64, scratch_operands = 4 : i64, tpu.core_type = #tpu.core_type<sc_vector_subcore>, window_params = [{transform_indices = #map}, {transform_indices = #map1}, {transform_indices = #map1}, {transform_indices = #map2}]} {
    %mul3A = arith.constant 632 : i32
    %mul3A_0 = arith.muli %arg1, %mul3A : i32
    "tpu.region"() ({
      %run_scoped3A = tpu.sem_alloc : memref<!tpu.dma_semaphore, #tpu.memory_space<semaphore_mem>>
      %dma_start3A = arith.constant 0 : i32
      %dma_start3A_7 = arith.constant 0 : i32
      %dma_start3A_8 = tpu.memref_slice %arg2[%arg0, %arg1, %dma_start3A, %dma_start3A_7] : memref<2x16x80x128xi32, #tpu.memory_space<hbm>> -> memref<1x1x80x128xi32, #tpu.memory_space<hbm>>
      %dma_start3A_9 = tpu.memref_squeeze %dma_start3A_8 : memref<1x1x80x128xi32, #tpu.memory_space<hbm>> -> memref<80x128xi32, #tpu.memory_space<hbm>>
      %dma_start3A_10 = arith.constant 0 : i32
      %dma_start3A_11 = arith.constant 0 : i32
      %dma_start3A_12 = tpu.memref_slice %arg2[%arg0, %arg1, %dma_start3A_10, %dma_start3A_11] : memref<2x16x80x128xi32, #tpu.memory_space<hbm>> -> memref<1x1x80x128xi32, #tpu.memory_space<hbm>>
      %dma_start3A_13 = tpu.memref_squeeze %dma_start3A_12 : memref<1x1x80x128xi32, #tpu.memory_space<hbm>> -> memref<80x128xi32, #tpu.memory_space<hbm>>
      tpu.enqueue_dma source(%dma_start3A_13 : memref<80x128xi32, #tpu.memory_space<hbm>>) target(%arg7 : memref<80x128xi32, #tpu.memory_space<vmem>>) target_semaphore(%run_scoped3A : memref<!tpu.dma_semaphore, #tpu.memory_space<semaphore_mem>>)
      %dma_wait3A = arith.constant 0 : i32
      %dma_wait3A_14 = arith.constant 0 : i32
      %dma_wait3A_15 = tpu.memref_slice %arg2[%arg0, %arg1, %dma_wait3A, %dma_wait3A_14] : memref<2x16x80x128xi32, #tpu.memory_space<hbm>> -> memref<1x1x80x128xi32, #tpu.memory_space<hbm>>
      %dma_wait3A_16 = tpu.memref_squeeze %dma_wait3A_15 : memref<1x1x80x128xi32, #tpu.memory_space<hbm>> -> memref<80x128xi32, #tpu.memory_space<hbm>>
      %dma_wait3A_17 = arith.constant 0 : i32
      %dma_wait3A_18 = arith.constant 0 : i32
      %dma_wait3A_19 = tpu.memref_slice %arg2[%arg0, %arg1, %dma_wait3A_17, %dma_wait3A_18] : memref<2x16x80x128xi32, #tpu.memory_space<hbm>> -> memref<1x1x80x128xi32, #tpu.memory_space<hbm>>
      %dma_wait3A_20 = tpu.memref_squeeze %dma_wait3A_19 : memref<1x1x80x128xi32, #tpu.memory_space<hbm>> -> memref<80x128xi32, #tpu.memory_space<hbm>>
      tpu.wait_dma2 semaphore(%run_scoped3A : memref<!tpu.dma_semaphore, #tpu.memory_space<semaphore_mem>>) src(%dma_wait3A_20 : memref<80x128xi32, #tpu.memory_space<hbm>>) dst(%arg7 : memref<80x128xi32, #tpu.memory_space<vmem>>)
      tpu.yield
    }) : () -> ()
    "tpu.region"() ({
      %run_scoped3A = tpu.sem_alloc : memref<!tpu.dma_semaphore, #tpu.memory_space<semaphore_mem>>
      %dma_start3A = arith.constant 0 : i32
      %dma_start3A_7 = tpu.memref_slice %arg6[%mul3A_0, %dma_start3A] : memref<10112x128xf32, #tpu.memory_space<vmem_shared>> -> memref<632x128xf32, #tpu.memory_space<vmem_shared>>
      tpu.enqueue_dma source(%arg4 : memref<632x128xf32, #tpu.memory_space<hbm>>) target(%dma_start3A_7 : memref<632x128xf32, #tpu.memory_space<vmem_shared>>) target_semaphore(%run_scoped3A : memref<!tpu.dma_semaphore, #tpu.memory_space<semaphore_mem>>)
      %dma_wait3A = arith.constant 0 : i32
      %dma_wait3A_8 = tpu.memref_slice %arg6[%mul3A_0, %dma_wait3A] : memref<10112x128xf32, #tpu.memory_space<vmem_shared>> -> memref<632x128xf32, #tpu.memory_space<vmem_shared>>
      tpu.wait_dma2 semaphore(%run_scoped3A : memref<!tpu.dma_semaphore, #tpu.memory_space<semaphore_mem>>) src(%arg4 : memref<632x128xf32, #tpu.memory_space<hbm>>) dst(%dma_wait3A_8 : memref<632x128xf32, #tpu.memory_space<vmem_shared>>)
      tpu.yield
    }) : () -> ()
    "tpu.region"() ({
      %run_scoped3A = tpu.sem_alloc : memref<!tpu.dma_semaphore, #tpu.memory_space<semaphore_mem>>
      tpu.enqueue_dma source(%arg3 : memref<128x128xf32, #tpu.memory_space<hbm>>) target(%arg8 : memref<128x128xf32, #tpu.memory_space<vmem>>) target_semaphore(%run_scoped3A : memref<!tpu.dma_semaphore, #tpu.memory_space<semaphore_mem>>)
      tpu.wait_dma2 semaphore(%run_scoped3A : memref<!tpu.dma_semaphore, #tpu.memory_space<semaphore_mem>>) src(%arg3 : memref<128x128xf32, #tpu.memory_space<hbm>>) dst(%arg8 : memref<128x128xf32, #tpu.memory_space<vmem>>)
      tpu.yield
    }) : () -> ()
    %barrier3A = arith.constant 0 : index
    tpu.barrier barrier_id(%barrier3A)
    %scan3A = arith.constant 0 : i32
    %scan3A_1 = arith.constant 0 : i32
    %scan3A_2 = arith.constant 16 : i32
    %scan3A_3 = arith.addi %scan3A_1, %scan3A_2 : i32
    %scan3A_4 = arith.constant 1 : i32
    scf.for %scan3A_7 = %scan3A_1 to %scan3A_3 step %scan3A_4  : i32 {
      %mul3A_8 = arith.constant 5 : i32
      %mul3A_9 = arith.muli %scan3A_7, %mul3A_8 : i32
      %add3A = arith.constant 0 : i32
      %add3A_10 = arith.addi %mul3A_9, %add3A : i32
      %dma_start3A = arith.constant 0 : i32
      %dma_start3A_11 = tpu.memref_slice %arg7[%add3A_10, %dma_start3A] : memref<80x128xi32, #tpu.memory_space<vmem>> -> memref<1x128xi32, #tpu.memory_space<vmem>>
      %dma_start3A_12 = tpu.memref_squeeze %dma_start3A_11 : memref<1x128xi32, #tpu.memory_space<vmem>> -> memref<128xi32, #tpu.memory_space<vmem>>
      %dma_start3A_13 = arith.constant 0 : i32
      %dma_start3A_14 = arith.constant 0 : i32
      %dma_start3A_15 = tpu.memref_slice %arg6[%dma_start3A_13, %dma_start3A_14] : memref<10112x128xf32, #tpu.memory_space<vmem_shared>> -> memref<10112x128xf32, #tpu.memory_space<vmem_shared>>
      tpu.enqueue_indirect_dma source(%arg8 : memref<128x128xf32, #tpu.memory_space<vmem>>) target(%dma_start3A_15 : memref<10112x128xf32, #tpu.memory_space<vmem_shared>>) offsets(%dma_start3A_12 : memref<128xi32, #tpu.memory_space<vmem>>) semaphore(%arg9 : memref<!tpu.dma_semaphore, #tpu.memory_space<semaphore_mem>>) {add = true}
      %add3A_16 = arith.constant 1 : i32
      %add3A_17 = arith.addi %mul3A_9, %add3A_16 : i32
      %dma_start3A_18 = arith.constant 0 : i32
      %dma_start3A_19 = tpu.memref_slice %arg7[%add3A_17, %dma_start3A_18] : memref<80x128xi32, #tpu.memory_space<vmem>> -> memref<1x128xi32, #tpu.memory_space<vmem>>
      %dma_start3A_20 = tpu.memref_squeeze %dma_start3A_19 : memref<1x128xi32, #tpu.memory_space<vmem>> -> memref<128xi32, #tpu.memory_space<vmem>>
      %dma_start3A_21 = arith.constant 0 : i32
      %dma_start3A_22 = arith.constant 0 : i32
      %dma_start3A_23 = tpu.memref_slice %arg6[%dma_start3A_21, %dma_start3A_22] : memref<10112x128xf32, #tpu.memory_space<vmem_shared>> -> memref<10112x128xf32, #tpu.memory_space<vmem_shared>>
      tpu.enqueue_indirect_dma source(%arg8 : memref<128x128xf32, #tpu.memory_space<vmem>>) target(%dma_start3A_23 : memref<10112x128xf32, #tpu.memory_space<vmem_shared>>) offsets(%dma_start3A_20 : memref<128xi32, #tpu.memory_space<vmem>>) semaphore(%arg9 : memref<!tpu.dma_semaphore, #tpu.memory_space<semaphore_mem>>) {add = true}
      %add3A_24 = arith.constant 2 : i32
      %add3A_25 = arith.addi %mul3A_9, %add3A_24 : i32
      %dma_start3A_26 = arith.constant 0 : i32
      %dma_start3A_27 = tpu.memref_slice %arg7[%add3A_25, %dma_start3A_26] : memref<80x128xi32, #tpu.memory_space<vmem>> -> memref<1x128xi32, #tpu.memory_space<vmem>>
      %dma_start3A_28 = tpu.memref_squeeze %dma_start3A_27 : memref<1x128xi32, #tpu.memory_space<vmem>> -> memref<128xi32, #tpu.memory_space<vmem>>
      %dma_start3A_29 = arith.constant 0 : i32
      %dma_start3A_30 = arith.constant 0 : i32
      %dma_start3A_31 = tpu.memref_slice %arg6[%dma_start3A_29, %dma_start3A_30] : memref<10112x128xf32, #tpu.memory_space<vmem_shared>> -> memref<10112x128xf32, #tpu.memory_space<vmem_shared>>
      tpu.enqueue_indirect_dma source(%arg8 : memref<128x128xf32, #tpu.memory_space<vmem>>) target(%dma_start3A_31 : memref<10112x128xf32, #tpu.memory_space<vmem_shared>>) offsets(%dma_start3A_28 : memref<128xi32, #tpu.memory_space<vmem>>) semaphore(%arg9 : memref<!tpu.dma_semaphore, #tpu.memory_space<semaphore_mem>>) {add = true}
      %add3A_32 = arith.constant 3 : i32
      %add3A_33 = arith.addi %mul3A_9, %add3A_32 : i32
      %dma_start3A_34 = arith.constant 0 : i32
      %dma_start3A_35 = tpu.memref_slice %arg7[%add3A_33, %dma_start3A_34] : memref<80x128xi32, #tpu.memory_space<vmem>> -> memref<1x128xi32, #tpu.memory_space<vmem>>
      %dma_start3A_36 = tpu.memref_squeeze %dma_start3A_35 : memref<1x128xi32, #tpu.memory_space<vmem>> -> memref<128xi32, #tpu.memory_space<vmem>>
      %dma_start3A_37 = arith.constant 0 : i32
      %dma_start3A_38 = arith.constant 0 : i32
      %dma_start3A_39 = tpu.memref_slice %arg6[%dma_start3A_37, %dma_start3A_38] : memref<10112x128xf32, #tpu.memory_space<vmem_shared>> -> memref<10112x128xf32, #tpu.memory_space<vmem_shared>>
      tpu.enqueue_indirect_dma source(%arg8 : memref<128x128xf32, #tpu.memory_space<vmem>>) target(%dma_start3A_39 : memref<10112x128xf32, #tpu.memory_space<vmem_shared>>) offsets(%dma_start3A_36 : memref<128xi32, #tpu.memory_space<vmem>>) semaphore(%arg9 : memref<!tpu.dma_semaphore, #tpu.memory_space<semaphore_mem>>) {add = true}
      %add3A_40 = arith.constant 4 : i32
      %add3A_41 = arith.addi %mul3A_9, %add3A_40 : i32
      %dma_start3A_42 = arith.constant 0 : i32
      %dma_start3A_43 = tpu.memref_slice %arg7[%add3A_41, %dma_start3A_42] : memref<80x128xi32, #tpu.memory_space<vmem>> -> memref<1x128xi32, #tpu.memory_space<vmem>>
      %dma_start3A_44 = tpu.memref_squeeze %dma_start3A_43 : memref<1x128xi32, #tpu.memory_space<vmem>> -> memref<128xi32, #tpu.memory_space<vmem>>
      %dma_start3A_45 = arith.constant 0 : i32
      %dma_start3A_46 = arith.constant 0 : i32
      %dma_start3A_47 = tpu.memref_slice %arg6[%dma_start3A_45, %dma_start3A_46] : memref<10112x128xf32, #tpu.memory_space<vmem_shared>> -> memref<10112x128xf32, #tpu.memory_space<vmem_shared>>
      tpu.enqueue_indirect_dma source(%arg8 : memref<128x128xf32, #tpu.memory_space<vmem>>) target(%dma_start3A_47 : memref<10112x128xf32, #tpu.memory_space<vmem_shared>>) offsets(%dma_start3A_44 : memref<128xi32, #tpu.memory_space<vmem>>) semaphore(%arg9 : memref<!tpu.dma_semaphore, #tpu.memory_space<semaphore_mem>>) {add = true}
      %add3A_48 = arith.constant 0 : i32
      %add3A_49 = arith.addi %mul3A_9, %add3A_48 : i32
      %dma_wait3A = arith.constant 0 : i32
      %dma_wait3A_50 = tpu.memref_slice %arg7[%add3A_49, %dma_wait3A] : memref<80x128xi32, #tpu.memory_space<vmem>> -> memref<1x128xi32, #tpu.memory_space<vmem>>
      %dma_wait3A_51 = tpu.memref_squeeze %dma_wait3A_50 : memref<1x128xi32, #tpu.memory_space<vmem>> -> memref<128xi32, #tpu.memory_space<vmem>>
      %dma_wait3A_52 = arith.constant 0 : i32
      %dma_wait3A_53 = arith.constant 0 : i32
      %dma_wait3A_54 = tpu.memref_slice %arg6[%dma_wait3A_52, %dma_wait3A_53] : memref<10112x128xf32, #tpu.memory_space<vmem_shared>> -> memref<10112x128xf32, #tpu.memory_space<vmem_shared>>
      tpu.wait_indirect_dma semaphore(%arg9 : memref<!tpu.dma_semaphore, #tpu.memory_space<semaphore_mem>>) src(%arg8 : memref<128x128xf32, #tpu.memory_space<vmem>>) dst(%dma_wait3A_54 : memref<10112x128xf32, #tpu.memory_space<vmem_shared>>)
      %add3A_55 = arith.constant 1 : i32
      %add3A_56 = arith.addi %mul3A_9, %add3A_55 : i32
      %dma_wait3A_57 = arith.constant 0 : i32
      %dma_wait3A_58 = tpu.memref_slice %arg7[%add3A_56, %dma_wait3A_57] : memref<80x128xi32, #tpu.memory_space<vmem>> -> memref<1x128xi32, #tpu.memory_space<vmem>>
      %dma_wait3A_59 = tpu.memref_squeeze %dma_wait3A_58 : memref<1x128xi32, #tpu.memory_space<vmem>> -> memref<128xi32, #tpu.memory_space<vmem>>
      %dma_wait3A_60 = arith.constant 0 : i32
      %dma_wait3A_61 = arith.constant 0 : i32
      %dma_wait3A_62 = tpu.memref_slice %arg6[%dma_wait3A_60, %dma_wait3A_61] : memref<10112x128xf32, #tpu.memory_space<vmem_shared>> -> memref<10112x128xf32, #tpu.memory_space<vmem_shared>>
      tpu.wait_indirect_dma semaphore(%arg9 : memref<!tpu.dma_semaphore, #tpu.memory_space<semaphore_mem>>) src(%arg8 : memref<128x128xf32, #tpu.memory_space<vmem>>) dst(%dma_wait3A_62 : memref<10112x128xf32, #tpu.memory_space<vmem_shared>>)
      %add3A_63 = arith.constant 2 : i32
      %add3A_64 = arith.addi %mul3A_9, %add3A_63 : i32
      %dma_wait3A_65 = arith.constant 0 : i32
      %dma_wait3A_66 = tpu.memref_slice %arg7[%add3A_64, %dma_wait3A_65] : memref<80x128xi32, #tpu.memory_space<vmem>> -> memref<1x128xi32, #tpu.memory_space<vmem>>
      %dma_wait3A_67 = tpu.memref_squeeze %dma_wait3A_66 : memref<1x128xi32, #tpu.memory_space<vmem>> -> memref<128xi32, #tpu.memory_space<vmem>>
      %dma_wait3A_68 = arith.constant 0 : i32
      %dma_wait3A_69 = arith.constant 0 : i32
      %dma_wait3A_70 = tpu.memref_slice %arg6[%dma_wait3A_68, %dma_wait3A_69] : memref<10112x128xf32, #tpu.memory_space<vmem_shared>> -> memref<10112x128xf32, #tpu.memory_space<vmem_shared>>
      tpu.wait_indirect_dma semaphore(%arg9 : memref<!tpu.dma_semaphore, #tpu.memory_space<semaphore_mem>>) src(%arg8 : memref<128x128xf32, #tpu.memory_space<vmem>>) dst(%dma_wait3A_70 : memref<10112x128xf32, #tpu.memory_space<vmem_shared>>)
      %add3A_71 = arith.constant 3 : i32
      %add3A_72 = arith.addi %mul3A_9, %add3A_71 : i32
      %dma_wait3A_73 = arith.constant 0 : i32
      %dma_wait3A_74 = tpu.memref_slice %arg7[%add3A_72, %dma_wait3A_73] : memref<80x128xi32, #tpu.memory_space<vmem>> -> memref<1x128xi32, #tpu.memory_space<vmem>>
      %dma_wait3A_75 = tpu.memref_squeeze %dma_wait3A_74 : memref<1x128xi32, #tpu.memory_space<vmem>> -> memref<128xi32, #tpu.memory_space<vmem>>
      %dma_wait3A_76 = arith.constant 0 : i32
      %dma_wait3A_77 = arith.constant 0 : i32
      %dma_wait3A_78 = tpu.memref_slice %arg6[%dma_wait3A_76, %dma_wait3A_77] : memref<10112x128xf32, #tpu.memory_space<vmem_shared>> -> memref<10112x128xf32, #tpu.memory_space<vmem_shared>>
      tpu.wait_indirect_dma semaphore(%arg9 : memref<!tpu.dma_semaphore, #tpu.memory_space<semaphore_mem>>) src(%arg8 : memref<128x128xf32, #tpu.memory_space<vmem>>) dst(%dma_wait3A_78 : memref<10112x128xf32, #tpu.memory_space<vmem_shared>>)
      %add3A_79 = arith.constant 4 : i32
      %add3A_80 = arith.addi %mul3A_9, %add3A_79 : i32
      %dma_wait3A_81 = arith.constant 0 : i32
      %dma_wait3A_82 = tpu.memref_slice %arg7[%add3A_80, %dma_wait3A_81] : memref<80x128xi32, #tpu.memory_space<vmem>> -> memref<1x128xi32, #tpu.memory_space<vmem>>
      %dma_wait3A_83 = tpu.memref_squeeze %dma_wait3A_82 : memref<1x128xi32, #tpu.memory_space<vmem>> -> memref<128xi32, #tpu.memory_space<vmem>>
      %dma_wait3A_84 = arith.constant 0 : i32
      %dma_wait3A_85 = arith.constant 0 : i32
      %dma_wait3A_86 = tpu.memref_slice %arg6[%dma_wait3A_84, %dma_wait3A_85] : memref<10112x128xf32, #tpu.memory_space<vmem_shared>> -> memref<10112x128xf32, #tpu.memory_space<vmem_shared>>
      tpu.wait_indirect_dma semaphore(%arg9 : memref<!tpu.dma_semaphore, #tpu.memory_space<semaphore_mem>>) src(%arg8 : memref<128x128xf32, #tpu.memory_space<vmem>>) dst(%dma_wait3A_86 : memref<10112x128xf32, #tpu.memory_space<vmem_shared>>)
    }
    %scan3A_5 = arith.constant 16 : i32
    %barrier3A_6 = arith.constant 0 : index
    tpu.barrier barrier_id(%barrier3A_6)
    "tpu.region"() ({
      %run_scoped3A = tpu.sem_alloc : memref<!tpu.dma_semaphore, #tpu.memory_space<semaphore_mem>>
      %dma_start3A = arith.constant 0 : i32
      %dma_start3A_7 = tpu.memref_slice %arg5[%arg0, %mul3A_0, %dma_start3A] : memref<2x10112x128xf32, #tpu.memory_space<hbm>> -> memref<1x632x128xf32, #tpu.memory_space<hbm>>
      %dma_start3A_8 = tpu.memref_squeeze %dma_start3A_7 : memref<1x632x128xf32, #tpu.memory_space<hbm>> -> memref<632x128xf32, #tpu.memory_space<hbm>>
      %dma_start3A_9 = arith.constant 0 : i32
      %dma_start3A_10 = tpu.memref_slice %arg6[%mul3A_0, %dma_start3A_9] : memref<10112x128xf32, #tpu.memory_space<vmem_shared>> -> memref<632x128xf32, #tpu.memory_space<vmem_shared>>
      tpu.enqueue_dma source(%dma_start3A_10 : memref<632x128xf32, #tpu.memory_space<vmem_shared>>) target(%dma_start3A_8 : memref<632x128xf32, #tpu.memory_space<hbm>>) target_semaphore(%run_scoped3A : memref<!tpu.dma_semaphore, #tpu.memory_space<semaphore_mem>>)
      %dma_wait3A = arith.constant 0 : i32
      %dma_wait3A_11 = tpu.memref_slice %arg5[%arg0, %mul3A_0, %dma_wait3A] : memref<2x10112x128xf32, #tpu.memory_space<hbm>> -> memref<1x632x128xf32, #tpu.memory_space<hbm>>
      %dma_wait3A_12 = tpu.memref_squeeze %dma_wait3A_11 : memref<1x632x128xf32, #tpu.memory_space<hbm>> -> memref<632x128xf32, #tpu.memory_space<hbm>>
      %dma_wait3A_13 = arith.constant 0 : i32
      %dma_wait3A_14 = tpu.memref_slice %arg6[%mul3A_0, %dma_wait3A_13] : memref<10112x128xf32, #tpu.memory_space<vmem_shared>> -> memref<632x128xf32, #tpu.memory_space<vmem_shared>>
      tpu.wait_dma2 semaphore(%run_scoped3A : memref<!tpu.dma_semaphore, #tpu.memory_space<semaphore_mem>>) src(%dma_wait3A_14 : memref<632x128xf32, #tpu.memory_space<vmem_shared>>) dst(%dma_wait3A_12 : memref<632x128xf32, #tpu.memory_space<hbm>>)
      tpu.yield
    }) : () -> ()
    return
  }
}

#map = affine_map<(d0, d1) -> (0, 0)>
#map1 = affine_map<(d0, d1) -> (0, 0, 0, 0, 0)>
#map2 = affine_map<(d0, d1) -> (0, 0, 0)>
module attributes {stable_mosaic.version = 14 : i64} {
  func.func @_sc_aggregate(%arg0: i32, %arg1: i32, %arg2: memref<10000x128xf32, #tpu.memory_space<hbm>>, %arg3: memref<2x16x7x20x128xi32, #tpu.memory_space<hbm>>, %arg4: memref<2x16x7x20x128xi32, #tpu.memory_space<hbm>>, %arg5: memref<632x128xf32, #tpu.memory_space<hbm>>, %arg6: memref<2x10112x128xf32, #tpu.memory_space<hbm>>, %arg7: memref<10112x128xf32, #tpu.memory_space<vmem_shared>>, %arg8: memref<20x128xi32, #tpu.memory_space<vmem>>, %arg9: memref<20x128xi32, #tpu.memory_space<vmem>>, %arg10: memref<2x128x128xf32, #tpu.memory_space<vmem>>, %arg11: memref<2x!tpu.dma_semaphore, #tpu.memory_space<semaphore_mem>>, %arg12: memref<2x!tpu.dma_semaphore, #tpu.memory_space<semaphore_mem>>) attributes {dimension_semantics = [#tpu.dimension_semantics<core_parallel>, #tpu.dimension_semantics<subcore_parallel>], iteration_bounds = array<i64: 2, 16>, scalar_prefetch = 0 : i64, scratch_operands = 6 : i64, tpu.core_type = #tpu.core_type<sc_vector_subcore>, window_params = [{transform_indices = #map}, {transform_indices = #map1}, {transform_indices = #map1}, {transform_indices = #map}, {transform_indices = #map2}]} {
    %mul3A = arith.constant 632 : i32
    %mul3A_0 = arith.muli %arg1, %mul3A : i32
    %eq3A = arith.constant 0 : i32
    %eq3A_1 = arith.cmpi eq, %arg0, %eq3A : i32
    %select_n3A = arith.constant 7 : i32
    %select_n3A_2 = arith.constant 1 : i32
    %select_n3A_3 = arith.select %eq3A_1, %select_n3A_2, %select_n3A : i32
    "tpu.region"() ({
      %run_scoped3A = tpu.sem_alloc : memref<!tpu.dma_semaphore, #tpu.memory_space<semaphore_mem>>
      %dma_start3A = arith.constant 0 : i32
      %dma_start3A_10 = tpu.memref_slice %arg7[%mul3A_0, %dma_start3A] : memref<10112x128xf32, #tpu.memory_space<vmem_shared>> -> memref<632x128xf32, #tpu.memory_space<vmem_shared>>
      tpu.enqueue_dma source(%arg5 : memref<632x128xf32, #tpu.memory_space<hbm>>) target(%dma_start3A_10 : memref<632x128xf32, #tpu.memory_space<vmem_shared>>) target_semaphore(%run_scoped3A : memref<!tpu.dma_semaphore, #tpu.memory_space<semaphore_mem>>)
      %dma_wait3A = arith.constant 0 : i32
      %dma_wait3A_11 = tpu.memref_slice %arg7[%mul3A_0, %dma_wait3A] : memref<10112x128xf32, #tpu.memory_space<vmem_shared>> -> memref<632x128xf32, #tpu.memory_space<vmem_shared>>
      tpu.wait_dma2 semaphore(%run_scoped3A : memref<!tpu.dma_semaphore, #tpu.memory_space<semaphore_mem>>) src(%arg5 : memref<632x128xf32, #tpu.memory_space<hbm>>) dst(%dma_wait3A_11 : memref<632x128xf32, #tpu.memory_space<vmem_shared>>)
      tpu.yield
    }) : () -> ()
    %barrier3A = arith.constant 0 : index
    tpu.barrier barrier_id(%barrier3A)
    %scan3A = arith.constant 0 : i32
    %scan3A_4 = arith.constant 0 : i32
    %scan3A_5 = arith.constant 7 : i32
    %scan3A_6 = arith.addi %scan3A_4, %scan3A_5 : i32
    %scan3A_7 = arith.constant 1 : i32
    scf.for %scan3A_10 = %scan3A_4 to %scan3A_6 step %scan3A_7  : i32 {
      %lt3A = arith.cmpi slt, %scan3A_10, %select_n3A_3 : i32
      %convert_element_type3A = arith.extui %lt3A : i1 to i32
      %cond3A = arith.constant 0 : i32
      %cond3A_11 = arith.cmpi ne, %convert_element_type3A, %cond3A : i32
      scf.if %cond3A_11 {
        "tpu.region"() ({
          %run_scoped3A = tpu.sem_alloc : memref<!tpu.dma_semaphore, #tpu.memory_space<semaphore_mem>>
          %dma_start3A = arith.constant 0 : i32
          %dma_start3A_47 = arith.constant 0 : i32
          %dma_start3A_48 = tpu.memref_slice %arg3[%arg0, %arg1, %scan3A_10, %dma_start3A, %dma_start3A_47] : memref<2x16x7x20x128xi32, #tpu.memory_space<hbm>> -> memref<1x1x1x20x128xi32, #tpu.memory_space<hbm>>
          %dma_start3A_49 = tpu.memref_squeeze %dma_start3A_48 : memref<1x1x1x20x128xi32, #tpu.memory_space<hbm>> -> memref<20x128xi32, #tpu.memory_space<hbm>>
          %dma_start3A_50 = arith.constant 0 : i32
          %dma_start3A_51 = arith.constant 0 : i32
          %dma_start3A_52 = tpu.memref_slice %arg3[%arg0, %arg1, %scan3A_10, %dma_start3A_50, %dma_start3A_51] : memref<2x16x7x20x128xi32, #tpu.memory_space<hbm>> -> memref<1x1x1x20x128xi32, #tpu.memory_space<hbm>>
          %dma_start3A_53 = tpu.memref_squeeze %dma_start3A_52 : memref<1x1x1x20x128xi32, #tpu.memory_space<hbm>> -> memref<20x128xi32, #tpu.memory_space<hbm>>
          tpu.enqueue_dma source(%dma_start3A_53 : memref<20x128xi32, #tpu.memory_space<hbm>>) target(%arg8 : memref<20x128xi32, #tpu.memory_space<vmem>>) target_semaphore(%run_scoped3A : memref<!tpu.dma_semaphore, #tpu.memory_space<semaphore_mem>>)
          %dma_wait3A_54 = arith.constant 0 : i32
          %dma_wait3A_55 = arith.constant 0 : i32
          %dma_wait3A_56 = tpu.memref_slice %arg3[%arg0, %arg1, %scan3A_10, %dma_wait3A_54, %dma_wait3A_55] : memref<2x16x7x20x128xi32, #tpu.memory_space<hbm>> -> memref<1x1x1x20x128xi32, #tpu.memory_space<hbm>>
          %dma_wait3A_57 = tpu.memref_squeeze %dma_wait3A_56 : memref<1x1x1x20x128xi32, #tpu.memory_space<hbm>> -> memref<20x128xi32, #tpu.memory_space<hbm>>
          %dma_wait3A_58 = arith.constant 0 : i32
          %dma_wait3A_59 = arith.constant 0 : i32
          %dma_wait3A_60 = tpu.memref_slice %arg3[%arg0, %arg1, %scan3A_10, %dma_wait3A_58, %dma_wait3A_59] : memref<2x16x7x20x128xi32, #tpu.memory_space<hbm>> -> memref<1x1x1x20x128xi32, #tpu.memory_space<hbm>>
          %dma_wait3A_61 = tpu.memref_squeeze %dma_wait3A_60 : memref<1x1x1x20x128xi32, #tpu.memory_space<hbm>> -> memref<20x128xi32, #tpu.memory_space<hbm>>
          tpu.wait_dma2 semaphore(%run_scoped3A : memref<!tpu.dma_semaphore, #tpu.memory_space<semaphore_mem>>) src(%dma_wait3A_61 : memref<20x128xi32, #tpu.memory_space<hbm>>) dst(%arg8 : memref<20x128xi32, #tpu.memory_space<vmem>>)
          tpu.yield
        }) : () -> ()
        "tpu.region"() ({
          %run_scoped3A = tpu.sem_alloc : memref<!tpu.dma_semaphore, #tpu.memory_space<semaphore_mem>>
          %dma_start3A = arith.constant 0 : i32
          %dma_start3A_47 = arith.constant 0 : i32
          %dma_start3A_48 = tpu.memref_slice %arg4[%arg0, %arg1, %scan3A_10, %dma_start3A, %dma_start3A_47] : memref<2x16x7x20x128xi32, #tpu.memory_space<hbm>> -> memref<1x1x1x20x128xi32, #tpu.memory_space<hbm>>
          %dma_start3A_49 = tpu.memref_squeeze %dma_start3A_48 : memref<1x1x1x20x128xi32, #tpu.memory_space<hbm>> -> memref<20x128xi32, #tpu.memory_space<hbm>>
          %dma_start3A_50 = arith.constant 0 : i32
          %dma_start3A_51 = arith.constant 0 : i32
          %dma_start3A_52 = tpu.memref_slice %arg4[%arg0, %arg1, %scan3A_10, %dma_start3A_50, %dma_start3A_51] : memref<2x16x7x20x128xi32, #tpu.memory_space<hbm>> -> memref<1x1x1x20x128xi32, #tpu.memory_space<hbm>>
          %dma_start3A_53 = tpu.memref_squeeze %dma_start3A_52 : memref<1x1x1x20x128xi32, #tpu.memory_space<hbm>> -> memref<20x128xi32, #tpu.memory_space<hbm>>
          tpu.enqueue_dma source(%dma_start3A_53 : memref<20x128xi32, #tpu.memory_space<hbm>>) target(%arg9 : memref<20x128xi32, #tpu.memory_space<vmem>>) target_semaphore(%run_scoped3A : memref<!tpu.dma_semaphore, #tpu.memory_space<semaphore_mem>>)
          %dma_wait3A_54 = arith.constant 0 : i32
          %dma_wait3A_55 = arith.constant 0 : i32
          %dma_wait3A_56 = tpu.memref_slice %arg4[%arg0, %arg1, %scan3A_10, %dma_wait3A_54, %dma_wait3A_55] : memref<2x16x7x20x128xi32, #tpu.memory_space<hbm>> -> memref<1x1x1x20x128xi32, #tpu.memory_space<hbm>>
          %dma_wait3A_57 = tpu.memref_squeeze %dma_wait3A_56 : memref<1x1x1x20x128xi32, #tpu.memory_space<hbm>> -> memref<20x128xi32, #tpu.memory_space<hbm>>
          %dma_wait3A_58 = arith.constant 0 : i32
          %dma_wait3A_59 = arith.constant 0 : i32
          %dma_wait3A_60 = tpu.memref_slice %arg4[%arg0, %arg1, %scan3A_10, %dma_wait3A_58, %dma_wait3A_59] : memref<2x16x7x20x128xi32, #tpu.memory_space<hbm>> -> memref<1x1x1x20x128xi32, #tpu.memory_space<hbm>>
          %dma_wait3A_61 = tpu.memref_squeeze %dma_wait3A_60 : memref<1x1x1x20x128xi32, #tpu.memory_space<hbm>> -> memref<20x128xi32, #tpu.memory_space<hbm>>
          tpu.wait_dma2 semaphore(%run_scoped3A : memref<!tpu.dma_semaphore, #tpu.memory_space<semaphore_mem>>) src(%dma_wait3A_61 : memref<20x128xi32, #tpu.memory_space<hbm>>) dst(%arg9 : memref<20x128xi32, #tpu.memory_space<vmem>>)
          tpu.yield
        }) : () -> ()
        %scan3A_12 = arith.constant 0 : i32
        %scan3A_13 = arith.constant 0 : i32
        %scan3A_14 = arith.constant 10 : i32
        %scan3A_15 = arith.addi %scan3A_13, %scan3A_14 : i32
        %scan3A_16 = arith.constant 1 : i32
        scf.for %scan3A_47 = %scan3A_13 to %scan3A_15 step %scan3A_16  : i32 {
          %mul3A_48 = arith.constant 2 : i32
          %mul3A_49 = arith.muli %scan3A_47, %mul3A_48 : i32
          %gt3A = arith.constant 0 : i32
          %gt3A_50 = arith.cmpi sgt, %scan3A_47, %gt3A : i32
          %convert_element_type3A_51 = arith.extui %gt3A_50 : i1 to i32
          %cond3A_52 = arith.constant 0 : i32
          %cond3A_53 = arith.cmpi ne, %convert_element_type3A_51, %cond3A_52 : i32
          scf.if %cond3A_53 {
            %sub3A = arith.constant 2 : i32
            %sub3A_153 = arith.subi %mul3A_49, %sub3A : i32
            %add3A_154 = arith.constant 0 : i32
            %add3A_155 = arith.addi %sub3A_153, %add3A_154 : i32
            %dma_wait3A_156 = arith.constant 0 : i32
            %dma_wait3A_157 = arith.constant 0 : i32
            %dma_wait3A_158 = arith.constant 0 : i32
            %dma_wait3A_159 = arith.constant 0 : i32
            %dma_wait3A_160 = tpu.memref_slice %arg10[%dma_wait3A_156, %dma_wait3A_158, %dma_wait3A_159] : memref<2x128x128xf32, #tpu.memory_space<vmem>> -> memref<1x128x128xf32, #tpu.memory_space<vmem>>
            %dma_wait3A_161 = tpu.memref_squeeze %dma_wait3A_160 : memref<1x128x128xf32, #tpu.memory_space<vmem>> -> memref<128x128xf32, #tpu.memory_space<vmem>>
            %dma_wait3A_162 = arith.constant 0 : i32
            %dma_wait3A_163 = tpu.memref_slice %arg9[%add3A_155, %dma_wait3A_162] : memref<20x128xi32, #tpu.memory_space<vmem>> -> memref<1x128xi32, #tpu.memory_space<vmem>>
            %dma_wait3A_164 = tpu.memref_squeeze %dma_wait3A_163 : memref<1x128xi32, #tpu.memory_space<vmem>> -> memref<128xi32, #tpu.memory_space<vmem>>
            %dma_wait3A_165 = arith.constant 0 : i32
            %dma_wait3A_166 = arith.constant 0 : i32
            %dma_wait3A_167 = tpu.memref_slice %arg7[%dma_wait3A_165, %dma_wait3A_166] : memref<10112x128xf32, #tpu.memory_space<vmem_shared>> -> memref<10112x128xf32, #tpu.memory_space<vmem_shared>>
            %dma_wait3A_168 = tpu.memref_slice %arg12[%dma_wait3A_157] : memref<2x!tpu.dma_semaphore, #tpu.memory_space<semaphore_mem>> -> memref<1x!tpu.dma_semaphore, #tpu.memory_space<semaphore_mem>>
            %dma_wait3A_169 = tpu.memref_squeeze %dma_wait3A_168 : memref<1x!tpu.dma_semaphore, #tpu.memory_space<semaphore_mem>> -> memref<!tpu.dma_semaphore, #tpu.memory_space<semaphore_mem>>
            tpu.wait_indirect_dma semaphore(%dma_wait3A_169 : memref<!tpu.dma_semaphore, #tpu.memory_space<semaphore_mem>>) src(%dma_wait3A_161 : memref<128x128xf32, #tpu.memory_space<vmem>>) dst(%dma_wait3A_167 : memref<10112x128xf32, #tpu.memory_space<vmem_shared>>)
          } else {
          }
          %add3A = arith.constant 0 : i32
          %add3A_54 = arith.addi %mul3A_49, %add3A : i32
          %dma_start3A = arith.constant 0 : i32
          %dma_start3A_55 = arith.constant 0 : i32
          %dma_start3A_56 = arith.constant 0 : i32
          %dma_start3A_57 = arith.constant 0 : i32
          %dma_start3A_58 = tpu.memref_slice %arg10[%dma_start3A, %dma_start3A_56, %dma_start3A_57] : memref<2x128x128xf32, #tpu.memory_space<vmem>> -> memref<1x128x128xf32, #tpu.memory_space<vmem>>
          %dma_start3A_59 = tpu.memref_squeeze %dma_start3A_58 : memref<1x128x128xf32, #tpu.memory_space<vmem>> -> memref<128x128xf32, #tpu.memory_space<vmem>>
          %dma_start3A_60 = arith.constant 0 : i32
          %dma_start3A_61 = tpu.memref_slice %arg8[%add3A_54, %dma_start3A_60] : memref<20x128xi32, #tpu.memory_space<vmem>> -> memref<1x128xi32, #tpu.memory_space<vmem>>
          %dma_start3A_62 = tpu.memref_squeeze %dma_start3A_61 : memref<1x128xi32, #tpu.memory_space<vmem>> -> memref<128xi32, #tpu.memory_space<vmem>>
          %dma_start3A_63 = arith.constant 0 : i32
          %dma_start3A_64 = arith.constant 0 : i32
          %dma_start3A_65 = tpu.memref_slice %arg2[%dma_start3A_63, %dma_start3A_64] : memref<10000x128xf32, #tpu.memory_space<hbm>> -> memref<10000x128xf32, #tpu.memory_space<hbm>>
          %dma_start3A_66 = tpu.memref_slice %arg11[%dma_start3A_55] : memref<2x!tpu.dma_semaphore, #tpu.memory_space<semaphore_mem>> -> memref<1x!tpu.dma_semaphore, #tpu.memory_space<semaphore_mem>>
          %dma_start3A_67 = tpu.memref_squeeze %dma_start3A_66 : memref<1x!tpu.dma_semaphore, #tpu.memory_space<semaphore_mem>> -> memref<!tpu.dma_semaphore, #tpu.memory_space<semaphore_mem>>
          tpu.enqueue_indirect_dma source(%dma_start3A_65 : memref<10000x128xf32, #tpu.memory_space<hbm>>) target(%dma_start3A_59 : memref<128x128xf32, #tpu.memory_space<vmem>>) offsets(%dma_start3A_62 : memref<128xi32, #tpu.memory_space<vmem>>) semaphore(%dma_start3A_67 : memref<!tpu.dma_semaphore, #tpu.memory_space<semaphore_mem>>)
          %gt3A_68 = arith.constant 0 : i32
          %gt3A_69 = arith.cmpi sgt, %scan3A_47, %gt3A_68 : i32
          %convert_element_type3A_70 = arith.extui %gt3A_69 : i1 to i32
          %cond3A_71 = arith.constant 0 : i32
          %cond3A_72 = arith.cmpi ne, %convert_element_type3A_70, %cond3A_71 : i32
          scf.if %cond3A_72 {
            %sub3A = arith.constant 2 : i32
            %sub3A_153 = arith.subi %mul3A_49, %sub3A : i32
            %add3A_154 = arith.constant 1 : i32
            %add3A_155 = arith.addi %sub3A_153, %add3A_154 : i32
            %dma_wait3A_156 = arith.constant 1 : i32
            %dma_wait3A_157 = arith.constant 1 : i32
            %dma_wait3A_158 = arith.constant 0 : i32
            %dma_wait3A_159 = arith.constant 0 : i32
            %dma_wait3A_160 = tpu.memref_slice %arg10[%dma_wait3A_156, %dma_wait3A_158, %dma_wait3A_159] : memref<2x128x128xf32, #tpu.memory_space<vmem>> -> memref<1x128x128xf32, #tpu.memory_space<vmem>>
            %dma_wait3A_161 = tpu.memref_squeeze %dma_wait3A_160 : memref<1x128x128xf32, #tpu.memory_space<vmem>> -> memref<128x128xf32, #tpu.memory_space<vmem>>
            %dma_wait3A_162 = arith.constant 0 : i32
            %dma_wait3A_163 = tpu.memref_slice %arg9[%add3A_155, %dma_wait3A_162] : memref<20x128xi32, #tpu.memory_space<vmem>> -> memref<1x128xi32, #tpu.memory_space<vmem>>
            %dma_wait3A_164 = tpu.memref_squeeze %dma_wait3A_163 : memref<1x128xi32, #tpu.memory_space<vmem>> -> memref<128xi32, #tpu.memory_space<vmem>>
            %dma_wait3A_165 = arith.constant 0 : i32
            %dma_wait3A_166 = arith.constant 0 : i32
            %dma_wait3A_167 = tpu.memref_slice %arg7[%dma_wait3A_165, %dma_wait3A_166] : memref<10112x128xf32, #tpu.memory_space<vmem_shared>> -> memref<10112x128xf32, #tpu.memory_space<vmem_shared>>
            %dma_wait3A_168 = tpu.memref_slice %arg12[%dma_wait3A_157] : memref<2x!tpu.dma_semaphore, #tpu.memory_space<semaphore_mem>> -> memref<1x!tpu.dma_semaphore, #tpu.memory_space<semaphore_mem>>
            %dma_wait3A_169 = tpu.memref_squeeze %dma_wait3A_168 : memref<1x!tpu.dma_semaphore, #tpu.memory_space<semaphore_mem>> -> memref<!tpu.dma_semaphore, #tpu.memory_space<semaphore_mem>>
            tpu.wait_indirect_dma semaphore(%dma_wait3A_169 : memref<!tpu.dma_semaphore, #tpu.memory_space<semaphore_mem>>) src(%dma_wait3A_161 : memref<128x128xf32, #tpu.memory_space<vmem>>) dst(%dma_wait3A_167 : memref<10112x128xf32, #tpu.memory_space<vmem_shared>>)
          } else {
          }
          %add3A_73 = arith.constant 1 : i32
          %add3A_74 = arith.addi %mul3A_49, %add3A_73 : i32
          %dma_start3A_75 = arith.constant 1 : i32
          %dma_start3A_76 = arith.constant 1 : i32
          %dma_start3A_77 = arith.constant 0 : i32
          %dma_start3A_78 = arith.constant 0 : i32
          %dma_start3A_79 = tpu.memref_slice %arg10[%dma_start3A_75, %dma_start3A_77, %dma_start3A_78] : memref<2x128x128xf32, #tpu.memory_space<vmem>> -> memref<1x128x128xf32, #tpu.memory_space<vmem>>
          %dma_start3A_80 = tpu.memref_squeeze %dma_start3A_79 : memref<1x128x128xf32, #tpu.memory_space<vmem>> -> memref<128x128xf32, #tpu.memory_space<vmem>>
          %dma_start3A_81 = arith.constant 0 : i32
          %dma_start3A_82 = tpu.memref_slice %arg8[%add3A_74, %dma_start3A_81] : memref<20x128xi32, #tpu.memory_space<vmem>> -> memref<1x128xi32, #tpu.memory_space<vmem>>
          %dma_start3A_83 = tpu.memref_squeeze %dma_start3A_82 : memref<1x128xi32, #tpu.memory_space<vmem>> -> memref<128xi32, #tpu.memory_space<vmem>>
          %dma_start3A_84 = arith.constant 0 : i32
          %dma_start3A_85 = arith.constant 0 : i32
          %dma_start3A_86 = tpu.memref_slice %arg2[%dma_start3A_84, %dma_start3A_85] : memref<10000x128xf32, #tpu.memory_space<hbm>> -> memref<10000x128xf32, #tpu.memory_space<hbm>>
          %dma_start3A_87 = tpu.memref_slice %arg11[%dma_start3A_76] : memref<2x!tpu.dma_semaphore, #tpu.memory_space<semaphore_mem>> -> memref<1x!tpu.dma_semaphore, #tpu.memory_space<semaphore_mem>>
          %dma_start3A_88 = tpu.memref_squeeze %dma_start3A_87 : memref<1x!tpu.dma_semaphore, #tpu.memory_space<semaphore_mem>> -> memref<!tpu.dma_semaphore, #tpu.memory_space<semaphore_mem>>
          tpu.enqueue_indirect_dma source(%dma_start3A_86 : memref<10000x128xf32, #tpu.memory_space<hbm>>) target(%dma_start3A_80 : memref<128x128xf32, #tpu.memory_space<vmem>>) offsets(%dma_start3A_83 : memref<128xi32, #tpu.memory_space<vmem>>) semaphore(%dma_start3A_88 : memref<!tpu.dma_semaphore, #tpu.memory_space<semaphore_mem>>)
          %add3A_89 = arith.constant 0 : i32
          %add3A_90 = arith.addi %mul3A_49, %add3A_89 : i32
          %dma_wait3A_91 = arith.constant 0 : i32
          %dma_wait3A_92 = arith.constant 0 : i32
          %dma_wait3A_93 = arith.constant 0 : i32
          %dma_wait3A_94 = arith.constant 0 : i32
          %dma_wait3A_95 = tpu.memref_slice %arg10[%dma_wait3A_91, %dma_wait3A_93, %dma_wait3A_94] : memref<2x128x128xf32, #tpu.memory_space<vmem>> -> memref<1x128x128xf32, #tpu.memory_space<vmem>>
          %dma_wait3A_96 = tpu.memref_squeeze %dma_wait3A_95 : memref<1x128x128xf32, #tpu.memory_space<vmem>> -> memref<128x128xf32, #tpu.memory_space<vmem>>
          %dma_wait3A_97 = arith.constant 0 : i32
          %dma_wait3A_98 = tpu.memref_slice %arg8[%add3A_90, %dma_wait3A_97] : memref<20x128xi32, #tpu.memory_space<vmem>> -> memref<1x128xi32, #tpu.memory_space<vmem>>
          %dma_wait3A_99 = tpu.memref_squeeze %dma_wait3A_98 : memref<1x128xi32, #tpu.memory_space<vmem>> -> memref<128xi32, #tpu.memory_space<vmem>>
          %dma_wait3A_100 = arith.constant 0 : i32
          %dma_wait3A_101 = arith.constant 0 : i32
          %dma_wait3A_102 = tpu.memref_slice %arg2[%dma_wait3A_100, %dma_wait3A_101] : memref<10000x128xf32, #tpu.memory_space<hbm>> -> memref<10000x128xf32, #tpu.memory_space<hbm>>
          %dma_wait3A_103 = tpu.memref_slice %arg11[%dma_wait3A_92] : memref<2x!tpu.dma_semaphore, #tpu.memory_space<semaphore_mem>> -> memref<1x!tpu.dma_semaphore, #tpu.memory_space<semaphore_mem>>
          %dma_wait3A_104 = tpu.memref_squeeze %dma_wait3A_103 : memref<1x!tpu.dma_semaphore, #tpu.memory_space<semaphore_mem>> -> memref<!tpu.dma_semaphore, #tpu.memory_space<semaphore_mem>>
          tpu.wait_indirect_dma semaphore(%dma_wait3A_104 : memref<!tpu.dma_semaphore, #tpu.memory_space<semaphore_mem>>) src(%dma_wait3A_102 : memref<10000x128xf32, #tpu.memory_space<hbm>>) dst(%dma_wait3A_96 : memref<128x128xf32, #tpu.memory_space<vmem>>)
          %add3A_105 = arith.constant 0 : i32
          %add3A_106 = arith.addi %mul3A_49, %add3A_105 : i32
          %dma_start3A_107 = arith.constant 0 : i32
          %dma_start3A_108 = arith.constant 0 : i32
          %dma_start3A_109 = arith.constant 0 : i32
          %dma_start3A_110 = arith.constant 0 : i32
          %dma_start3A_111 = tpu.memref_slice %arg10[%dma_start3A_107, %dma_start3A_109, %dma_start3A_110] : memref<2x128x128xf32, #tpu.memory_space<vmem>> -> memref<1x128x128xf32, #tpu.memory_space<vmem>>
          %dma_start3A_112 = tpu.memref_squeeze %dma_start3A_111 : memref<1x128x128xf32, #tpu.memory_space<vmem>> -> memref<128x128xf32, #tpu.memory_space<vmem>>
          %dma_start3A_113 = arith.constant 0 : i32
          %dma_start3A_114 = tpu.memref_slice %arg9[%add3A_106, %dma_start3A_113] : memref<20x128xi32, #tpu.memory_space<vmem>> -> memref<1x128xi32, #tpu.memory_space<vmem>>
          %dma_start3A_115 = tpu.memref_squeeze %dma_start3A_114 : memref<1x128xi32, #tpu.memory_space<vmem>> -> memref<128xi32, #tpu.memory_space<vmem>>
          %dma_start3A_116 = arith.constant 0 : i32
          %dma_start3A_117 = arith.constant 0 : i32
          %dma_start3A_118 = tpu.memref_slice %arg7[%dma_start3A_116, %dma_start3A_117] : memref<10112x128xf32, #tpu.memory_space<vmem_shared>> -> memref<10112x128xf32, #tpu.memory_space<vmem_shared>>
          %dma_start3A_119 = tpu.memref_slice %arg12[%dma_start3A_108] : memref<2x!tpu.dma_semaphore, #tpu.memory_space<semaphore_mem>> -> memref<1x!tpu.dma_semaphore, #tpu.memory_space<semaphore_mem>>
          %dma_start3A_120 = tpu.memref_squeeze %dma_start3A_119 : memref<1x!tpu.dma_semaphore, #tpu.memory_space<semaphore_mem>> -> memref<!tpu.dma_semaphore, #tpu.memory_space<semaphore_mem>>
          tpu.enqueue_indirect_dma source(%dma_start3A_112 : memref<128x128xf32, #tpu.memory_space<vmem>>) target(%dma_start3A_118 : memref<10112x128xf32, #tpu.memory_space<vmem_shared>>) offsets(%dma_start3A_115 : memref<128xi32, #tpu.memory_space<vmem>>) semaphore(%dma_start3A_120 : memref<!tpu.dma_semaphore, #tpu.memory_space<semaphore_mem>>) {add = true}
          %add3A_121 = arith.constant 1 : i32
          %add3A_122 = arith.addi %mul3A_49, %add3A_121 : i32
          %dma_wait3A_123 = arith.constant 1 : i32
          %dma_wait3A_124 = arith.constant 1 : i32
          %dma_wait3A_125 = arith.constant 0 : i32
          %dma_wait3A_126 = arith.constant 0 : i32
          %dma_wait3A_127 = tpu.memref_slice %arg10[%dma_wait3A_123, %dma_wait3A_125, %dma_wait3A_126] : memref<2x128x128xf32, #tpu.memory_space<vmem>> -> memref<1x128x128xf32, #tpu.memory_space<vmem>>
          %dma_wait3A_128 = tpu.memref_squeeze %dma_wait3A_127 : memref<1x128x128xf32, #tpu.memory_space<vmem>> -> memref<128x128xf32, #tpu.memory_space<vmem>>
          %dma_wait3A_129 = arith.constant 0 : i32
          %dma_wait3A_130 = tpu.memref_slice %arg8[%add3A_122, %dma_wait3A_129] : memref<20x128xi32, #tpu.memory_space<vmem>> -> memref<1x128xi32, #tpu.memory_space<vmem>>
          %dma_wait3A_131 = tpu.memref_squeeze %dma_wait3A_130 : memref<1x128xi32, #tpu.memory_space<vmem>> -> memref<128xi32, #tpu.memory_space<vmem>>
          %dma_wait3A_132 = arith.constant 0 : i32
          %dma_wait3A_133 = arith.constant 0 : i32
          %dma_wait3A_134 = tpu.memref_slice %arg2[%dma_wait3A_132, %dma_wait3A_133] : memref<10000x128xf32, #tpu.memory_space<hbm>> -> memref<10000x128xf32, #tpu.memory_space<hbm>>
          %dma_wait3A_135 = tpu.memref_slice %arg11[%dma_wait3A_124] : memref<2x!tpu.dma_semaphore, #tpu.memory_space<semaphore_mem>> -> memref<1x!tpu.dma_semaphore, #tpu.memory_space<semaphore_mem>>
          %dma_wait3A_136 = tpu.memref_squeeze %dma_wait3A_135 : memref<1x!tpu.dma_semaphore, #tpu.memory_space<semaphore_mem>> -> memref<!tpu.dma_semaphore, #tpu.memory_space<semaphore_mem>>
          tpu.wait_indirect_dma semaphore(%dma_wait3A_136 : memref<!tpu.dma_semaphore, #tpu.memory_space<semaphore_mem>>) src(%dma_wait3A_134 : memref<10000x128xf32, #tpu.memory_space<hbm>>) dst(%dma_wait3A_128 : memref<128x128xf32, #tpu.memory_space<vmem>>)
          %add3A_137 = arith.constant 1 : i32
          %add3A_138 = arith.addi %mul3A_49, %add3A_137 : i32
          %dma_start3A_139 = arith.constant 1 : i32
          %dma_start3A_140 = arith.constant 1 : i32
          %dma_start3A_141 = arith.constant 0 : i32
          %dma_start3A_142 = arith.constant 0 : i32
          %dma_start3A_143 = tpu.memref_slice %arg10[%dma_start3A_139, %dma_start3A_141, %dma_start3A_142] : memref<2x128x128xf32, #tpu.memory_space<vmem>> -> memref<1x128x128xf32, #tpu.memory_space<vmem>>
          %dma_start3A_144 = tpu.memref_squeeze %dma_start3A_143 : memref<1x128x128xf32, #tpu.memory_space<vmem>> -> memref<128x128xf32, #tpu.memory_space<vmem>>
          %dma_start3A_145 = arith.constant 0 : i32
          %dma_start3A_146 = tpu.memref_slice %arg9[%add3A_138, %dma_start3A_145] : memref<20x128xi32, #tpu.memory_space<vmem>> -> memref<1x128xi32, #tpu.memory_space<vmem>>
          %dma_start3A_147 = tpu.memref_squeeze %dma_start3A_146 : memref<1x128xi32, #tpu.memory_space<vmem>> -> memref<128xi32, #tpu.memory_space<vmem>>
          %dma_start3A_148 = arith.constant 0 : i32
          %dma_start3A_149 = arith.constant 0 : i32
          %dma_start3A_150 = tpu.memref_slice %arg7[%dma_start3A_148, %dma_start3A_149] : memref<10112x128xf32, #tpu.memory_space<vmem_shared>> -> memref<10112x128xf32, #tpu.memory_space<vmem_shared>>
          %dma_start3A_151 = tpu.memref_slice %arg12[%dma_start3A_140] : memref<2x!tpu.dma_semaphore, #tpu.memory_space<semaphore_mem>> -> memref<1x!tpu.dma_semaphore, #tpu.memory_space<semaphore_mem>>
          %dma_start3A_152 = tpu.memref_squeeze %dma_start3A_151 : memref<1x!tpu.dma_semaphore, #tpu.memory_space<semaphore_mem>> -> memref<!tpu.dma_semaphore, #tpu.memory_space<semaphore_mem>>
          tpu.enqueue_indirect_dma source(%dma_start3A_144 : memref<128x128xf32, #tpu.memory_space<vmem>>) target(%dma_start3A_150 : memref<10112x128xf32, #tpu.memory_space<vmem_shared>>) offsets(%dma_start3A_147 : memref<128xi32, #tpu.memory_space<vmem>>) semaphore(%dma_start3A_152 : memref<!tpu.dma_semaphore, #tpu.memory_space<semaphore_mem>>) {add = true}
        }
        %scan3A_17 = arith.constant 10 : i32
        %dma_wait3A = arith.constant 0 : i32
        %dma_wait3A_18 = arith.constant 18 : i32
        %dma_wait3A_19 = arith.constant 0 : i32
        %dma_wait3A_20 = arith.constant 0 : i32
        %dma_wait3A_21 = arith.constant 0 : i32
        %dma_wait3A_22 = tpu.memref_slice %arg10[%dma_wait3A, %dma_wait3A_20, %dma_wait3A_21] : memref<2x128x128xf32, #tpu.memory_space<vmem>> -> memref<1x128x128xf32, #tpu.memory_space<vmem>>
        %dma_wait3A_23 = tpu.memref_squeeze %dma_wait3A_22 : memref<1x128x128xf32, #tpu.memory_space<vmem>> -> memref<128x128xf32, #tpu.memory_space<vmem>>
        %dma_wait3A_24 = arith.constant 0 : i32
        %dma_wait3A_25 = tpu.memref_slice %arg9[%dma_wait3A_18, %dma_wait3A_24] : memref<20x128xi32, #tpu.memory_space<vmem>> -> memref<1x128xi32, #tpu.memory_space<vmem>>
        %dma_wait3A_26 = tpu.memref_squeeze %dma_wait3A_25 : memref<1x128xi32, #tpu.memory_space<vmem>> -> memref<128xi32, #tpu.memory_space<vmem>>
        %dma_wait3A_27 = arith.constant 0 : i32
        %dma_wait3A_28 = arith.constant 0 : i32
        %dma_wait3A_29 = tpu.memref_slice %arg7[%dma_wait3A_27, %dma_wait3A_28] : memref<10112x128xf32, #tpu.memory_space<vmem_shared>> -> memref<10112x128xf32, #tpu.memory_space<vmem_shared>>
        %dma_wait3A_30 = tpu.memref_slice %arg12[%dma_wait3A_19] : memref<2x!tpu.dma_semaphore, #tpu.memory_space<semaphore_mem>> -> memref<1x!tpu.dma_semaphore, #tpu.memory_space<semaphore_mem>>
        %dma_wait3A_31 = tpu.memref_squeeze %dma_wait3A_30 : memref<1x!tpu.dma_semaphore, #tpu.memory_space<semaphore_mem>> -> memref<!tpu.dma_semaphore, #tpu.memory_space<semaphore_mem>>
        tpu.wait_indirect_dma semaphore(%dma_wait3A_31 : memref<!tpu.dma_semaphore, #tpu.memory_space<semaphore_mem>>) src(%dma_wait3A_23 : memref<128x128xf32, #tpu.memory_space<vmem>>) dst(%dma_wait3A_29 : memref<10112x128xf32, #tpu.memory_space<vmem_shared>>)
        %dma_wait3A_32 = arith.constant 1 : i32
        %dma_wait3A_33 = arith.constant 19 : i32
        %dma_wait3A_34 = arith.constant 1 : i32
        %dma_wait3A_35 = arith.constant 0 : i32
        %dma_wait3A_36 = arith.constant 0 : i32
        %dma_wait3A_37 = tpu.memref_slice %arg10[%dma_wait3A_32, %dma_wait3A_35, %dma_wait3A_36] : memref<2x128x128xf32, #tpu.memory_space<vmem>> -> memref<1x128x128xf32, #tpu.memory_space<vmem>>
        %dma_wait3A_38 = tpu.memref_squeeze %dma_wait3A_37 : memref<1x128x128xf32, #tpu.memory_space<vmem>> -> memref<128x128xf32, #tpu.memory_space<vmem>>
        %dma_wait3A_39 = arith.constant 0 : i32
        %dma_wait3A_40 = tpu.memref_slice %arg9[%dma_wait3A_33, %dma_wait3A_39] : memref<20x128xi32, #tpu.memory_space<vmem>> -> memref<1x128xi32, #tpu.memory_space<vmem>>
        %dma_wait3A_41 = tpu.memref_squeeze %dma_wait3A_40 : memref<1x128xi32, #tpu.memory_space<vmem>> -> memref<128xi32, #tpu.memory_space<vmem>>
        %dma_wait3A_42 = arith.constant 0 : i32
        %dma_wait3A_43 = arith.constant 0 : i32
        %dma_wait3A_44 = tpu.memref_slice %arg7[%dma_wait3A_42, %dma_wait3A_43] : memref<10112x128xf32, #tpu.memory_space<vmem_shared>> -> memref<10112x128xf32, #tpu.memory_space<vmem_shared>>
        %dma_wait3A_45 = tpu.memref_slice %arg12[%dma_wait3A_34] : memref<2x!tpu.dma_semaphore, #tpu.memory_space<semaphore_mem>> -> memref<1x!tpu.dma_semaphore, #tpu.memory_space<semaphore_mem>>
        %dma_wait3A_46 = tpu.memref_squeeze %dma_wait3A_45 : memref<1x!tpu.dma_semaphore, #tpu.memory_space<semaphore_mem>> -> memref<!tpu.dma_semaphore, #tpu.memory_space<semaphore_mem>>
        tpu.wait_indirect_dma semaphore(%dma_wait3A_46 : memref<!tpu.dma_semaphore, #tpu.memory_space<semaphore_mem>>) src(%dma_wait3A_38 : memref<128x128xf32, #tpu.memory_space<vmem>>) dst(%dma_wait3A_44 : memref<10112x128xf32, #tpu.memory_space<vmem_shared>>)
      } else {
      }
    }
    %scan3A_8 = arith.constant 7 : i32
    %barrier3A_9 = arith.constant 0 : index
    tpu.barrier barrier_id(%barrier3A_9)
    "tpu.region"() ({
      %run_scoped3A = tpu.sem_alloc : memref<!tpu.dma_semaphore, #tpu.memory_space<semaphore_mem>>
      %dma_start3A = arith.constant 0 : i32
      %dma_start3A_10 = tpu.memref_slice %arg6[%arg0, %mul3A_0, %dma_start3A] : memref<2x10112x128xf32, #tpu.memory_space<hbm>> -> memref<1x632x128xf32, #tpu.memory_space<hbm>>
      %dma_start3A_11 = tpu.memref_squeeze %dma_start3A_10 : memref<1x632x128xf32, #tpu.memory_space<hbm>> -> memref<632x128xf32, #tpu.memory_space<hbm>>
      %dma_start3A_12 = arith.constant 0 : i32
      %dma_start3A_13 = tpu.memref_slice %arg7[%mul3A_0, %dma_start3A_12] : memref<10112x128xf32, #tpu.memory_space<vmem_shared>> -> memref<632x128xf32, #tpu.memory_space<vmem_shared>>
      tpu.enqueue_dma source(%dma_start3A_13 : memref<632x128xf32, #tpu.memory_space<vmem_shared>>) target(%dma_start3A_11 : memref<632x128xf32, #tpu.memory_space<hbm>>) target_semaphore(%run_scoped3A : memref<!tpu.dma_semaphore, #tpu.memory_space<semaphore_mem>>)
      %dma_wait3A = arith.constant 0 : i32
      %dma_wait3A_14 = tpu.memref_slice %arg6[%arg0, %mul3A_0, %dma_wait3A] : memref<2x10112x128xf32, #tpu.memory_space<hbm>> -> memref<1x632x128xf32, #tpu.memory_space<hbm>>
      %dma_wait3A_15 = tpu.memref_squeeze %dma_wait3A_14 : memref<1x632x128xf32, #tpu.memory_space<hbm>> -> memref<632x128xf32, #tpu.memory_space<hbm>>
      %dma_wait3A_16 = arith.constant 0 : i32
      %dma_wait3A_17 = tpu.memref_slice %arg7[%mul3A_0, %dma_wait3A_16] : memref<10112x128xf32, #tpu.memory_space<vmem_shared>> -> memref<632x128xf32, #tpu.memory_space<vmem_shared>>
      tpu.wait_dma2 semaphore(%run_scoped3A : memref<!tpu.dma_semaphore, #tpu.memory_space<semaphore_mem>>) src(%dma_wait3A_17 : memref<632x128xf32, #tpu.memory_space<vmem_shared>>) dst(%dma_wait3A_15 : memref<632x128xf32, #tpu.memory_space<hbm>>)
      tpu.yield
    }) : () -> ()
    return
  }
}

#map = affine_map<(d0, d1) -> (0, 0)>
#map1 = affine_map<(d0, d1) -> (0, 0, 0, 0, 0)>
#map2 = affine_map<(d0, d1) -> (0, 0, 0)>
module attributes {stable_mosaic.version = 14 : i64} {
  func.func @_sc_aggregate(%arg0: i32, %arg1: i32, %arg2: memref<10000x128xf32, #tpu.memory_space<hbm>>, %arg3: memref<2x16x7x20x128xi32, #tpu.memory_space<hbm>>, %arg4: memref<2x16x7x20x128xi32, #tpu.memory_space<hbm>>, %arg5: memref<632x128xf32, #tpu.memory_space<hbm>>, %arg6: memref<2x10112x128xf32, #tpu.memory_space<hbm>>, %arg7: memref<10112x128xf32, #tpu.memory_space<vmem_shared>>, %arg8: memref<20x128xi32, #tpu.memory_space<vmem>>, %arg9: memref<20x128xi32, #tpu.memory_space<vmem>>, %arg10: memref<2x128x128xf32, #tpu.memory_space<vmem>>, %arg11: memref<2x!tpu.dma_semaphore, #tpu.memory_space<semaphore_mem>>, %arg12: memref<2x!tpu.dma_semaphore, #tpu.memory_space<semaphore_mem>>) attributes {dimension_semantics = [#tpu.dimension_semantics<core_parallel>, #tpu.dimension_semantics<subcore_parallel>], iteration_bounds = array<i64: 2, 16>, scalar_prefetch = 0 : i64, scratch_operands = 6 : i64, tpu.core_type = #tpu.core_type<sc_vector_subcore>, window_params = [{transform_indices = #map}, {transform_indices = #map1}, {transform_indices = #map1}, {transform_indices = #map}, {transform_indices = #map2}]} {
    %mul3A = arith.constant 632 : i32
    %mul3A_0 = arith.muli %arg1, %mul3A : i32
    %eq3A = arith.constant 0 : i32
    %eq3A_1 = arith.cmpi eq, %arg0, %eq3A : i32
    %select_n3A = arith.constant 7 : i32
    %select_n3A_2 = arith.constant 1 : i32
    %select_n3A_3 = arith.select %eq3A_1, %select_n3A_2, %select_n3A : i32
    "tpu.region"() ({
      %run_scoped3A = tpu.sem_alloc : memref<!tpu.dma_semaphore, #tpu.memory_space<semaphore_mem>>
      %dma_start3A = arith.constant 0 : i32
      %dma_start3A_10 = tpu.memref_slice %arg7[%mul3A_0, %dma_start3A] : memref<10112x128xf32, #tpu.memory_space<vmem_shared>> -> memref<632x128xf32, #tpu.memory_space<vmem_shared>>
      tpu.enqueue_dma source(%arg5 : memref<632x128xf32, #tpu.memory_space<hbm>>) target(%dma_start3A_10 : memref<632x128xf32, #tpu.memory_space<vmem_shared>>) target_semaphore(%run_scoped3A : memref<!tpu.dma_semaphore, #tpu.memory_space<semaphore_mem>>)
      %dma_wait3A = arith.constant 0 : i32
      %dma_wait3A_11 = tpu.memref_slice %arg7[%mul3A_0, %dma_wait3A] : memref<10112x128xf32, #tpu.memory_space<vmem_shared>> -> memref<632x128xf32, #tpu.memory_space<vmem_shared>>
      tpu.wait_dma2 semaphore(%run_scoped3A : memref<!tpu.dma_semaphore, #tpu.memory_space<semaphore_mem>>) src(%arg5 : memref<632x128xf32, #tpu.memory_space<hbm>>) dst(%dma_wait3A_11 : memref<632x128xf32, #tpu.memory_space<vmem_shared>>)
      tpu.yield
    }) : () -> ()
    %barrier3A = arith.constant 0 : index
    tpu.barrier barrier_id(%barrier3A)
    %scan3A = arith.constant 0 : i32
    %scan3A_4 = arith.constant 0 : i32
    %scan3A_5 = arith.constant 7 : i32
    %scan3A_6 = arith.addi %scan3A_4, %scan3A_5 : i32
    %scan3A_7 = arith.constant 1 : i32
    scf.for %scan3A_10 = %scan3A_4 to %scan3A_6 step %scan3A_7  : i32 {
      %lt3A = arith.cmpi slt, %scan3A_10, %select_n3A_3 : i32
      %convert_element_type3A = arith.extui %lt3A : i1 to i32
      %cond3A = arith.constant 0 : i32
      %cond3A_11 = arith.cmpi ne, %convert_element_type3A, %cond3A : i32
      scf.if %cond3A_11 {
        "tpu.region"() ({
          %run_scoped3A = tpu.sem_alloc : memref<!tpu.dma_semaphore, #tpu.memory_space<semaphore_mem>>
          %dma_start3A = arith.constant 0 : i32
          %dma_start3A_47 = arith.constant 0 : i32
          %dma_start3A_48 = tpu.memref_slice %arg3[%arg0, %arg1, %scan3A_10, %dma_start3A, %dma_start3A_47] : memref<2x16x7x20x128xi32, #tpu.memory_space<hbm>> -> memref<1x1x1x20x128xi32, #tpu.memory_space<hbm>>
          %dma_start3A_49 = tpu.memref_squeeze %dma_start3A_48 : memref<1x1x1x20x128xi32, #tpu.memory_space<hbm>> -> memref<20x128xi32, #tpu.memory_space<hbm>>
          %dma_start3A_50 = arith.constant 0 : i32
          %dma_start3A_51 = arith.constant 0 : i32
          %dma_start3A_52 = tpu.memref_slice %arg3[%arg0, %arg1, %scan3A_10, %dma_start3A_50, %dma_start3A_51] : memref<2x16x7x20x128xi32, #tpu.memory_space<hbm>> -> memref<1x1x1x20x128xi32, #tpu.memory_space<hbm>>
          %dma_start3A_53 = tpu.memref_squeeze %dma_start3A_52 : memref<1x1x1x20x128xi32, #tpu.memory_space<hbm>> -> memref<20x128xi32, #tpu.memory_space<hbm>>
          tpu.enqueue_dma source(%dma_start3A_53 : memref<20x128xi32, #tpu.memory_space<hbm>>) target(%arg8 : memref<20x128xi32, #tpu.memory_space<vmem>>) target_semaphore(%run_scoped3A : memref<!tpu.dma_semaphore, #tpu.memory_space<semaphore_mem>>)
          %dma_wait3A_54 = arith.constant 0 : i32
          %dma_wait3A_55 = arith.constant 0 : i32
          %dma_wait3A_56 = tpu.memref_slice %arg3[%arg0, %arg1, %scan3A_10, %dma_wait3A_54, %dma_wait3A_55] : memref<2x16x7x20x128xi32, #tpu.memory_space<hbm>> -> memref<1x1x1x20x128xi32, #tpu.memory_space<hbm>>
          %dma_wait3A_57 = tpu.memref_squeeze %dma_wait3A_56 : memref<1x1x1x20x128xi32, #tpu.memory_space<hbm>> -> memref<20x128xi32, #tpu.memory_space<hbm>>
          %dma_wait3A_58 = arith.constant 0 : i32
          %dma_wait3A_59 = arith.constant 0 : i32
          %dma_wait3A_60 = tpu.memref_slice %arg3[%arg0, %arg1, %scan3A_10, %dma_wait3A_58, %dma_wait3A_59] : memref<2x16x7x20x128xi32, #tpu.memory_space<hbm>> -> memref<1x1x1x20x128xi32, #tpu.memory_space<hbm>>
          %dma_wait3A_61 = tpu.memref_squeeze %dma_wait3A_60 : memref<1x1x1x20x128xi32, #tpu.memory_space<hbm>> -> memref<20x128xi32, #tpu.memory_space<hbm>>
          tpu.wait_dma2 semaphore(%run_scoped3A : memref<!tpu.dma_semaphore, #tpu.memory_space<semaphore_mem>>) src(%dma_wait3A_61 : memref<20x128xi32, #tpu.memory_space<hbm>>) dst(%arg8 : memref<20x128xi32, #tpu.memory_space<vmem>>)
          tpu.yield
        }) : () -> ()
        "tpu.region"() ({
          %run_scoped3A = tpu.sem_alloc : memref<!tpu.dma_semaphore, #tpu.memory_space<semaphore_mem>>
          %dma_start3A = arith.constant 0 : i32
          %dma_start3A_47 = arith.constant 0 : i32
          %dma_start3A_48 = tpu.memref_slice %arg4[%arg0, %arg1, %scan3A_10, %dma_start3A, %dma_start3A_47] : memref<2x16x7x20x128xi32, #tpu.memory_space<hbm>> -> memref<1x1x1x20x128xi32, #tpu.memory_space<hbm>>
          %dma_start3A_49 = tpu.memref_squeeze %dma_start3A_48 : memref<1x1x1x20x128xi32, #tpu.memory_space<hbm>> -> memref<20x128xi32, #tpu.memory_space<hbm>>
          %dma_start3A_50 = arith.constant 0 : i32
          %dma_start3A_51 = arith.constant 0 : i32
          %dma_start3A_52 = tpu.memref_slice %arg4[%arg0, %arg1, %scan3A_10, %dma_start3A_50, %dma_start3A_51] : memref<2x16x7x20x128xi32, #tpu.memory_space<hbm>> -> memref<1x1x1x20x128xi32, #tpu.memory_space<hbm>>
          %dma_start3A_53 = tpu.memref_squeeze %dma_start3A_52 : memref<1x1x1x20x128xi32, #tpu.memory_space<hbm>> -> memref<20x128xi32, #tpu.memory_space<hbm>>
          tpu.enqueue_dma source(%dma_start3A_53 : memref<20x128xi32, #tpu.memory_space<hbm>>) target(%arg9 : memref<20x128xi32, #tpu.memory_space<vmem>>) target_semaphore(%run_scoped3A : memref<!tpu.dma_semaphore, #tpu.memory_space<semaphore_mem>>)
          %dma_wait3A_54 = arith.constant 0 : i32
          %dma_wait3A_55 = arith.constant 0 : i32
          %dma_wait3A_56 = tpu.memref_slice %arg4[%arg0, %arg1, %scan3A_10, %dma_wait3A_54, %dma_wait3A_55] : memref<2x16x7x20x128xi32, #tpu.memory_space<hbm>> -> memref<1x1x1x20x128xi32, #tpu.memory_space<hbm>>
          %dma_wait3A_57 = tpu.memref_squeeze %dma_wait3A_56 : memref<1x1x1x20x128xi32, #tpu.memory_space<hbm>> -> memref<20x128xi32, #tpu.memory_space<hbm>>
          %dma_wait3A_58 = arith.constant 0 : i32
          %dma_wait3A_59 = arith.constant 0 : i32
          %dma_wait3A_60 = tpu.memref_slice %arg4[%arg0, %arg1, %scan3A_10, %dma_wait3A_58, %dma_wait3A_59] : memref<2x16x7x20x128xi32, #tpu.memory_space<hbm>> -> memref<1x1x1x20x128xi32, #tpu.memory_space<hbm>>
          %dma_wait3A_61 = tpu.memref_squeeze %dma_wait3A_60 : memref<1x1x1x20x128xi32, #tpu.memory_space<hbm>> -> memref<20x128xi32, #tpu.memory_space<hbm>>
          tpu.wait_dma2 semaphore(%run_scoped3A : memref<!tpu.dma_semaphore, #tpu.memory_space<semaphore_mem>>) src(%dma_wait3A_61 : memref<20x128xi32, #tpu.memory_space<hbm>>) dst(%arg9 : memref<20x128xi32, #tpu.memory_space<vmem>>)
          tpu.yield
        }) : () -> ()
        %scan3A_12 = arith.constant 0 : i32
        %scan3A_13 = arith.constant 0 : i32
        %scan3A_14 = arith.constant 10 : i32
        %scan3A_15 = arith.addi %scan3A_13, %scan3A_14 : i32
        %scan3A_16 = arith.constant 1 : i32
        scf.for %scan3A_47 = %scan3A_13 to %scan3A_15 step %scan3A_16  : i32 {
          %mul3A_48 = arith.constant 2 : i32
          %mul3A_49 = arith.muli %scan3A_47, %mul3A_48 : i32
          %gt3A = arith.constant 0 : i32
          %gt3A_50 = arith.cmpi sgt, %scan3A_47, %gt3A : i32
          %convert_element_type3A_51 = arith.extui %gt3A_50 : i1 to i32
          %cond3A_52 = arith.constant 0 : i32
          %cond3A_53 = arith.cmpi ne, %convert_element_type3A_51, %cond3A_52 : i32
          scf.if %cond3A_53 {
            %sub3A = arith.constant 2 : i32
            %sub3A_153 = arith.subi %mul3A_49, %sub3A : i32
            %add3A_154 = arith.constant 0 : i32
            %add3A_155 = arith.addi %sub3A_153, %add3A_154 : i32
            %dma_wait3A_156 = arith.constant 0 : i32
            %dma_wait3A_157 = arith.constant 0 : i32
            %dma_wait3A_158 = arith.constant 0 : i32
            %dma_wait3A_159 = arith.constant 0 : i32
            %dma_wait3A_160 = tpu.memref_slice %arg10[%dma_wait3A_156, %dma_wait3A_158, %dma_wait3A_159] : memref<2x128x128xf32, #tpu.memory_space<vmem>> -> memref<1x128x128xf32, #tpu.memory_space<vmem>>
            %dma_wait3A_161 = tpu.memref_squeeze %dma_wait3A_160 : memref<1x128x128xf32, #tpu.memory_space<vmem>> -> memref<128x128xf32, #tpu.memory_space<vmem>>
            %dma_wait3A_162 = arith.constant 0 : i32
            %dma_wait3A_163 = tpu.memref_slice %arg9[%add3A_155, %dma_wait3A_162] : memref<20x128xi32, #tpu.memory_space<vmem>> -> memref<1x128xi32, #tpu.memory_space<vmem>>
            %dma_wait3A_164 = tpu.memref_squeeze %dma_wait3A_163 : memref<1x128xi32, #tpu.memory_space<vmem>> -> memref<128xi32, #tpu.memory_space<vmem>>
            %dma_wait3A_165 = arith.constant 0 : i32
            %dma_wait3A_166 = arith.constant 0 : i32
            %dma_wait3A_167 = tpu.memref_slice %arg7[%dma_wait3A_165, %dma_wait3A_166] : memref<10112x128xf32, #tpu.memory_space<vmem_shared>> -> memref<10112x128xf32, #tpu.memory_space<vmem_shared>>
            %dma_wait3A_168 = tpu.memref_slice %arg12[%dma_wait3A_157] : memref<2x!tpu.dma_semaphore, #tpu.memory_space<semaphore_mem>> -> memref<1x!tpu.dma_semaphore, #tpu.memory_space<semaphore_mem>>
            %dma_wait3A_169 = tpu.memref_squeeze %dma_wait3A_168 : memref<1x!tpu.dma_semaphore, #tpu.memory_space<semaphore_mem>> -> memref<!tpu.dma_semaphore, #tpu.memory_space<semaphore_mem>>
            tpu.wait_indirect_dma semaphore(%dma_wait3A_169 : memref<!tpu.dma_semaphore, #tpu.memory_space<semaphore_mem>>) src(%dma_wait3A_161 : memref<128x128xf32, #tpu.memory_space<vmem>>) dst(%dma_wait3A_167 : memref<10112x128xf32, #tpu.memory_space<vmem_shared>>)
          } else {
          }
          %add3A = arith.constant 0 : i32
          %add3A_54 = arith.addi %mul3A_49, %add3A : i32
          %dma_start3A = arith.constant 0 : i32
          %dma_start3A_55 = arith.constant 0 : i32
          %dma_start3A_56 = arith.constant 0 : i32
          %dma_start3A_57 = arith.constant 0 : i32
          %dma_start3A_58 = tpu.memref_slice %arg10[%dma_start3A, %dma_start3A_56, %dma_start3A_57] : memref<2x128x128xf32, #tpu.memory_space<vmem>> -> memref<1x128x128xf32, #tpu.memory_space<vmem>>
          %dma_start3A_59 = tpu.memref_squeeze %dma_start3A_58 : memref<1x128x128xf32, #tpu.memory_space<vmem>> -> memref<128x128xf32, #tpu.memory_space<vmem>>
          %dma_start3A_60 = arith.constant 0 : i32
          %dma_start3A_61 = tpu.memref_slice %arg8[%add3A_54, %dma_start3A_60] : memref<20x128xi32, #tpu.memory_space<vmem>> -> memref<1x128xi32, #tpu.memory_space<vmem>>
          %dma_start3A_62 = tpu.memref_squeeze %dma_start3A_61 : memref<1x128xi32, #tpu.memory_space<vmem>> -> memref<128xi32, #tpu.memory_space<vmem>>
          %dma_start3A_63 = arith.constant 0 : i32
          %dma_start3A_64 = arith.constant 0 : i32
          %dma_start3A_65 = tpu.memref_slice %arg2[%dma_start3A_63, %dma_start3A_64] : memref<10000x128xf32, #tpu.memory_space<hbm>> -> memref<10000x128xf32, #tpu.memory_space<hbm>>
          %dma_start3A_66 = tpu.memref_slice %arg11[%dma_start3A_55] : memref<2x!tpu.dma_semaphore, #tpu.memory_space<semaphore_mem>> -> memref<1x!tpu.dma_semaphore, #tpu.memory_space<semaphore_mem>>
          %dma_start3A_67 = tpu.memref_squeeze %dma_start3A_66 : memref<1x!tpu.dma_semaphore, #tpu.memory_space<semaphore_mem>> -> memref<!tpu.dma_semaphore, #tpu.memory_space<semaphore_mem>>
          tpu.enqueue_indirect_dma source(%dma_start3A_65 : memref<10000x128xf32, #tpu.memory_space<hbm>>) target(%dma_start3A_59 : memref<128x128xf32, #tpu.memory_space<vmem>>) offsets(%dma_start3A_62 : memref<128xi32, #tpu.memory_space<vmem>>) semaphore(%dma_start3A_67 : memref<!tpu.dma_semaphore, #tpu.memory_space<semaphore_mem>>)
          %gt3A_68 = arith.constant 0 : i32
          %gt3A_69 = arith.cmpi sgt, %scan3A_47, %gt3A_68 : i32
          %convert_element_type3A_70 = arith.extui %gt3A_69 : i1 to i32
          %cond3A_71 = arith.constant 0 : i32
          %cond3A_72 = arith.cmpi ne, %convert_element_type3A_70, %cond3A_71 : i32
          scf.if %cond3A_72 {
            %sub3A = arith.constant 2 : i32
            %sub3A_153 = arith.subi %mul3A_49, %sub3A : i32
            %add3A_154 = arith.constant 1 : i32
            %add3A_155 = arith.addi %sub3A_153, %add3A_154 : i32
            %dma_wait3A_156 = arith.constant 1 : i32
            %dma_wait3A_157 = arith.constant 1 : i32
            %dma_wait3A_158 = arith.constant 0 : i32
            %dma_wait3A_159 = arith.constant 0 : i32
            %dma_wait3A_160 = tpu.memref_slice %arg10[%dma_wait3A_156, %dma_wait3A_158, %dma_wait3A_159] : memref<2x128x128xf32, #tpu.memory_space<vmem>> -> memref<1x128x128xf32, #tpu.memory_space<vmem>>
            %dma_wait3A_161 = tpu.memref_squeeze %dma_wait3A_160 : memref<1x128x128xf32, #tpu.memory_space<vmem>> -> memref<128x128xf32, #tpu.memory_space<vmem>>
            %dma_wait3A_162 = arith.constant 0 : i32
            %dma_wait3A_163 = tpu.memref_slice %arg9[%add3A_155, %dma_wait3A_162] : memref<20x128xi32, #tpu.memory_space<vmem>> -> memref<1x128xi32, #tpu.memory_space<vmem>>
            %dma_wait3A_164 = tpu.memref_squeeze %dma_wait3A_163 : memref<1x128xi32, #tpu.memory_space<vmem>> -> memref<128xi32, #tpu.memory_space<vmem>>
            %dma_wait3A_165 = arith.constant 0 : i32
            %dma_wait3A_166 = arith.constant 0 : i32
            %dma_wait3A_167 = tpu.memref_slice %arg7[%dma_wait3A_165, %dma_wait3A_166] : memref<10112x128xf32, #tpu.memory_space<vmem_shared>> -> memref<10112x128xf32, #tpu.memory_space<vmem_shared>>
            %dma_wait3A_168 = tpu.memref_slice %arg12[%dma_wait3A_157] : memref<2x!tpu.dma_semaphore, #tpu.memory_space<semaphore_mem>> -> memref<1x!tpu.dma_semaphore, #tpu.memory_space<semaphore_mem>>
            %dma_wait3A_169 = tpu.memref_squeeze %dma_wait3A_168 : memref<1x!tpu.dma_semaphore, #tpu.memory_space<semaphore_mem>> -> memref<!tpu.dma_semaphore, #tpu.memory_space<semaphore_mem>>
            tpu.wait_indirect_dma semaphore(%dma_wait3A_169 : memref<!tpu.dma_semaphore, #tpu.memory_space<semaphore_mem>>) src(%dma_wait3A_161 : memref<128x128xf32, #tpu.memory_space<vmem>>) dst(%dma_wait3A_167 : memref<10112x128xf32, #tpu.memory_space<vmem_shared>>)
          } else {
          }
          %add3A_73 = arith.constant 1 : i32
          %add3A_74 = arith.addi %mul3A_49, %add3A_73 : i32
          %dma_start3A_75 = arith.constant 1 : i32
          %dma_start3A_76 = arith.constant 1 : i32
          %dma_start3A_77 = arith.constant 0 : i32
          %dma_start3A_78 = arith.constant 0 : i32
          %dma_start3A_79 = tpu.memref_slice %arg10[%dma_start3A_75, %dma_start3A_77, %dma_start3A_78] : memref<2x128x128xf32, #tpu.memory_space<vmem>> -> memref<1x128x128xf32, #tpu.memory_space<vmem>>
          %dma_start3A_80 = tpu.memref_squeeze %dma_start3A_79 : memref<1x128x128xf32, #tpu.memory_space<vmem>> -> memref<128x128xf32, #tpu.memory_space<vmem>>
          %dma_start3A_81 = arith.constant 0 : i32
          %dma_start3A_82 = tpu.memref_slice %arg8[%add3A_74, %dma_start3A_81] : memref<20x128xi32, #tpu.memory_space<vmem>> -> memref<1x128xi32, #tpu.memory_space<vmem>>
          %dma_start3A_83 = tpu.memref_squeeze %dma_start3A_82 : memref<1x128xi32, #tpu.memory_space<vmem>> -> memref<128xi32, #tpu.memory_space<vmem>>
          %dma_start3A_84 = arith.constant 0 : i32
          %dma_start3A_85 = arith.constant 0 : i32
          %dma_start3A_86 = tpu.memref_slice %arg2[%dma_start3A_84, %dma_start3A_85] : memref<10000x128xf32, #tpu.memory_space<hbm>> -> memref<10000x128xf32, #tpu.memory_space<hbm>>
          %dma_start3A_87 = tpu.memref_slice %arg11[%dma_start3A_76] : memref<2x!tpu.dma_semaphore, #tpu.memory_space<semaphore_mem>> -> memref<1x!tpu.dma_semaphore, #tpu.memory_space<semaphore_mem>>
          %dma_start3A_88 = tpu.memref_squeeze %dma_start3A_87 : memref<1x!tpu.dma_semaphore, #tpu.memory_space<semaphore_mem>> -> memref<!tpu.dma_semaphore, #tpu.memory_space<semaphore_mem>>
          tpu.enqueue_indirect_dma source(%dma_start3A_86 : memref<10000x128xf32, #tpu.memory_space<hbm>>) target(%dma_start3A_80 : memref<128x128xf32, #tpu.memory_space<vmem>>) offsets(%dma_start3A_83 : memref<128xi32, #tpu.memory_space<vmem>>) semaphore(%dma_start3A_88 : memref<!tpu.dma_semaphore, #tpu.memory_space<semaphore_mem>>)
          %add3A_89 = arith.constant 0 : i32
          %add3A_90 = arith.addi %mul3A_49, %add3A_89 : i32
          %dma_wait3A_91 = arith.constant 0 : i32
          %dma_wait3A_92 = arith.constant 0 : i32
          %dma_wait3A_93 = arith.constant 0 : i32
          %dma_wait3A_94 = arith.constant 0 : i32
          %dma_wait3A_95 = tpu.memref_slice %arg10[%dma_wait3A_91, %dma_wait3A_93, %dma_wait3A_94] : memref<2x128x128xf32, #tpu.memory_space<vmem>> -> memref<1x128x128xf32, #tpu.memory_space<vmem>>
          %dma_wait3A_96 = tpu.memref_squeeze %dma_wait3A_95 : memref<1x128x128xf32, #tpu.memory_space<vmem>> -> memref<128x128xf32, #tpu.memory_space<vmem>>
          %dma_wait3A_97 = arith.constant 0 : i32
          %dma_wait3A_98 = tpu.memref_slice %arg8[%add3A_90, %dma_wait3A_97] : memref<20x128xi32, #tpu.memory_space<vmem>> -> memref<1x128xi32, #tpu.memory_space<vmem>>
          %dma_wait3A_99 = tpu.memref_squeeze %dma_wait3A_98 : memref<1x128xi32, #tpu.memory_space<vmem>> -> memref<128xi32, #tpu.memory_space<vmem>>
          %dma_wait3A_100 = arith.constant 0 : i32
          %dma_wait3A_101 = arith.constant 0 : i32
          %dma_wait3A_102 = tpu.memref_slice %arg2[%dma_wait3A_100, %dma_wait3A_101] : memref<10000x128xf32, #tpu.memory_space<hbm>> -> memref<10000x128xf32, #tpu.memory_space<hbm>>
          %dma_wait3A_103 = tpu.memref_slice %arg11[%dma_wait3A_92] : memref<2x!tpu.dma_semaphore, #tpu.memory_space<semaphore_mem>> -> memref<1x!tpu.dma_semaphore, #tpu.memory_space<semaphore_mem>>
          %dma_wait3A_104 = tpu.memref_squeeze %dma_wait3A_103 : memref<1x!tpu.dma_semaphore, #tpu.memory_space<semaphore_mem>> -> memref<!tpu.dma_semaphore, #tpu.memory_space<semaphore_mem>>
          tpu.wait_indirect_dma semaphore(%dma_wait3A_104 : memref<!tpu.dma_semaphore, #tpu.memory_space<semaphore_mem>>) src(%dma_wait3A_102 : memref<10000x128xf32, #tpu.memory_space<hbm>>) dst(%dma_wait3A_96 : memref<128x128xf32, #tpu.memory_space<vmem>>)
          %add3A_105 = arith.constant 0 : i32
          %add3A_106 = arith.addi %mul3A_49, %add3A_105 : i32
          %dma_start3A_107 = arith.constant 0 : i32
          %dma_start3A_108 = arith.constant 0 : i32
          %dma_start3A_109 = arith.constant 0 : i32
          %dma_start3A_110 = arith.constant 0 : i32
          %dma_start3A_111 = tpu.memref_slice %arg10[%dma_start3A_107, %dma_start3A_109, %dma_start3A_110] : memref<2x128x128xf32, #tpu.memory_space<vmem>> -> memref<1x128x128xf32, #tpu.memory_space<vmem>>
          %dma_start3A_112 = tpu.memref_squeeze %dma_start3A_111 : memref<1x128x128xf32, #tpu.memory_space<vmem>> -> memref<128x128xf32, #tpu.memory_space<vmem>>
          %dma_start3A_113 = arith.constant 0 : i32
          %dma_start3A_114 = tpu.memref_slice %arg9[%add3A_106, %dma_start3A_113] : memref<20x128xi32, #tpu.memory_space<vmem>> -> memref<1x128xi32, #tpu.memory_space<vmem>>
          %dma_start3A_115 = tpu.memref_squeeze %dma_start3A_114 : memref<1x128xi32, #tpu.memory_space<vmem>> -> memref<128xi32, #tpu.memory_space<vmem>>
          %dma_start3A_116 = arith.constant 0 : i32
          %dma_start3A_117 = arith.constant 0 : i32
          %dma_start3A_118 = tpu.memref_slice %arg7[%dma_start3A_116, %dma_start3A_117] : memref<10112x128xf32, #tpu.memory_space<vmem_shared>> -> memref<10112x128xf32, #tpu.memory_space<vmem_shared>>
          %dma_start3A_119 = tpu.memref_slice %arg12[%dma_start3A_108] : memref<2x!tpu.dma_semaphore, #tpu.memory_space<semaphore_mem>> -> memref<1x!tpu.dma_semaphore, #tpu.memory_space<semaphore_mem>>
          %dma_start3A_120 = tpu.memref_squeeze %dma_start3A_119 : memref<1x!tpu.dma_semaphore, #tpu.memory_space<semaphore_mem>> -> memref<!tpu.dma_semaphore, #tpu.memory_space<semaphore_mem>>
          tpu.enqueue_indirect_dma source(%dma_start3A_112 : memref<128x128xf32, #tpu.memory_space<vmem>>) target(%dma_start3A_118 : memref<10112x128xf32, #tpu.memory_space<vmem_shared>>) offsets(%dma_start3A_115 : memref<128xi32, #tpu.memory_space<vmem>>) semaphore(%dma_start3A_120 : memref<!tpu.dma_semaphore, #tpu.memory_space<semaphore_mem>>) {add = true}
          %add3A_121 = arith.constant 1 : i32
          %add3A_122 = arith.addi %mul3A_49, %add3A_121 : i32
          %dma_wait3A_123 = arith.constant 1 : i32
          %dma_wait3A_124 = arith.constant 1 : i32
          %dma_wait3A_125 = arith.constant 0 : i32
          %dma_wait3A_126 = arith.constant 0 : i32
          %dma_wait3A_127 = tpu.memref_slice %arg10[%dma_wait3A_123, %dma_wait3A_125, %dma_wait3A_126] : memref<2x128x128xf32, #tpu.memory_space<vmem>> -> memref<1x128x128xf32, #tpu.memory_space<vmem>>
          %dma_wait3A_128 = tpu.memref_squeeze %dma_wait3A_127 : memref<1x128x128xf32, #tpu.memory_space<vmem>> -> memref<128x128xf32, #tpu.memory_space<vmem>>
          %dma_wait3A_129 = arith.constant 0 : i32
          %dma_wait3A_130 = tpu.memref_slice %arg8[%add3A_122, %dma_wait3A_129] : memref<20x128xi32, #tpu.memory_space<vmem>> -> memref<1x128xi32, #tpu.memory_space<vmem>>
          %dma_wait3A_131 = tpu.memref_squeeze %dma_wait3A_130 : memref<1x128xi32, #tpu.memory_space<vmem>> -> memref<128xi32, #tpu.memory_space<vmem>>
          %dma_wait3A_132 = arith.constant 0 : i32
          %dma_wait3A_133 = arith.constant 0 : i32
          %dma_wait3A_134 = tpu.memref_slice %arg2[%dma_wait3A_132, %dma_wait3A_133] : memref<10000x128xf32, #tpu.memory_space<hbm>> -> memref<10000x128xf32, #tpu.memory_space<hbm>>
          %dma_wait3A_135 = tpu.memref_slice %arg11[%dma_wait3A_124] : memref<2x!tpu.dma_semaphore, #tpu.memory_space<semaphore_mem>> -> memref<1x!tpu.dma_semaphore, #tpu.memory_space<semaphore_mem>>
          %dma_wait3A_136 = tpu.memref_squeeze %dma_wait3A_135 : memref<1x!tpu.dma_semaphore, #tpu.memory_space<semaphore_mem>> -> memref<!tpu.dma_semaphore, #tpu.memory_space<semaphore_mem>>
          tpu.wait_indirect_dma semaphore(%dma_wait3A_136 : memref<!tpu.dma_semaphore, #tpu.memory_space<semaphore_mem>>) src(%dma_wait3A_134 : memref<10000x128xf32, #tpu.memory_space<hbm>>) dst(%dma_wait3A_128 : memref<128x128xf32, #tpu.memory_space<vmem>>)
          %add3A_137 = arith.constant 1 : i32
          %add3A_138 = arith.addi %mul3A_49, %add3A_137 : i32
          %dma_start3A_139 = arith.constant 1 : i32
          %dma_start3A_140 = arith.constant 1 : i32
          %dma_start3A_141 = arith.constant 0 : i32
          %dma_start3A_142 = arith.constant 0 : i32
          %dma_start3A_143 = tpu.memref_slice %arg10[%dma_start3A_139, %dma_start3A_141, %dma_start3A_142] : memref<2x128x128xf32, #tpu.memory_space<vmem>> -> memref<1x128x128xf32, #tpu.memory_space<vmem>>
          %dma_start3A_144 = tpu.memref_squeeze %dma_start3A_143 : memref<1x128x128xf32, #tpu.memory_space<vmem>> -> memref<128x128xf32, #tpu.memory_space<vmem>>
          %dma_start3A_145 = arith.constant 0 : i32
          %dma_start3A_146 = tpu.memref_slice %arg9[%add3A_138, %dma_start3A_145] : memref<20x128xi32, #tpu.memory_space<vmem>> -> memref<1x128xi32, #tpu.memory_space<vmem>>
          %dma_start3A_147 = tpu.memref_squeeze %dma_start3A_146 : memref<1x128xi32, #tpu.memory_space<vmem>> -> memref<128xi32, #tpu.memory_space<vmem>>
          %dma_start3A_148 = arith.constant 0 : i32
          %dma_start3A_149 = arith.constant 0 : i32
          %dma_start3A_150 = tpu.memref_slice %arg7[%dma_start3A_148, %dma_start3A_149] : memref<10112x128xf32, #tpu.memory_space<vmem_shared>> -> memref<10112x128xf32, #tpu.memory_space<vmem_shared>>
          %dma_start3A_151 = tpu.memref_slice %arg12[%dma_start3A_140] : memref<2x!tpu.dma_semaphore, #tpu.memory_space<semaphore_mem>> -> memref<1x!tpu.dma_semaphore, #tpu.memory_space<semaphore_mem>>
          %dma_start3A_152 = tpu.memref_squeeze %dma_start3A_151 : memref<1x!tpu.dma_semaphore, #tpu.memory_space<semaphore_mem>> -> memref<!tpu.dma_semaphore, #tpu.memory_space<semaphore_mem>>
          tpu.enqueue_indirect_dma source(%dma_start3A_144 : memref<128x128xf32, #tpu.memory_space<vmem>>) target(%dma_start3A_150 : memref<10112x128xf32, #tpu.memory_space<vmem_shared>>) offsets(%dma_start3A_147 : memref<128xi32, #tpu.memory_space<vmem>>) semaphore(%dma_start3A_152 : memref<!tpu.dma_semaphore, #tpu.memory_space<semaphore_mem>>) {add = true}
        }
        %scan3A_17 = arith.constant 10 : i32
        %dma_wait3A = arith.constant 0 : i32
        %dma_wait3A_18 = arith.constant 18 : i32
        %dma_wait3A_19 = arith.constant 0 : i32
        %dma_wait3A_20 = arith.constant 0 : i32
        %dma_wait3A_21 = arith.constant 0 : i32
        %dma_wait3A_22 = tpu.memref_slice %arg10[%dma_wait3A, %dma_wait3A_20, %dma_wait3A_21] : memref<2x128x128xf32, #tpu.memory_space<vmem>> -> memref<1x128x128xf32, #tpu.memory_space<vmem>>
        %dma_wait3A_23 = tpu.memref_squeeze %dma_wait3A_22 : memref<1x128x128xf32, #tpu.memory_space<vmem>> -> memref<128x128xf32, #tpu.memory_space<vmem>>
        %dma_wait3A_24 = arith.constant 0 : i32
        %dma_wait3A_25 = tpu.memref_slice %arg9[%dma_wait3A_18, %dma_wait3A_24] : memref<20x128xi32, #tpu.memory_space<vmem>> -> memref<1x128xi32, #tpu.memory_space<vmem>>
        %dma_wait3A_26 = tpu.memref_squeeze %dma_wait3A_25 : memref<1x128xi32, #tpu.memory_space<vmem>> -> memref<128xi32, #tpu.memory_space<vmem>>
        %dma_wait3A_27 = arith.constant 0 : i32
        %dma_wait3A_28 = arith.constant 0 : i32
        %dma_wait3A_29 = tpu.memref_slice %arg7[%dma_wait3A_27, %dma_wait3A_28] : memref<10112x128xf32, #tpu.memory_space<vmem_shared>> -> memref<10112x128xf32, #tpu.memory_space<vmem_shared>>
        %dma_wait3A_30 = tpu.memref_slice %arg12[%dma_wait3A_19] : memref<2x!tpu.dma_semaphore, #tpu.memory_space<semaphore_mem>> -> memref<1x!tpu.dma_semaphore, #tpu.memory_space<semaphore_mem>>
        %dma_wait3A_31 = tpu.memref_squeeze %dma_wait3A_30 : memref<1x!tpu.dma_semaphore, #tpu.memory_space<semaphore_mem>> -> memref<!tpu.dma_semaphore, #tpu.memory_space<semaphore_mem>>
        tpu.wait_indirect_dma semaphore(%dma_wait3A_31 : memref<!tpu.dma_semaphore, #tpu.memory_space<semaphore_mem>>) src(%dma_wait3A_23 : memref<128x128xf32, #tpu.memory_space<vmem>>) dst(%dma_wait3A_29 : memref<10112x128xf32, #tpu.memory_space<vmem_shared>>)
        %dma_wait3A_32 = arith.constant 1 : i32
        %dma_wait3A_33 = arith.constant 19 : i32
        %dma_wait3A_34 = arith.constant 1 : i32
        %dma_wait3A_35 = arith.constant 0 : i32
        %dma_wait3A_36 = arith.constant 0 : i32
        %dma_wait3A_37 = tpu.memref_slice %arg10[%dma_wait3A_32, %dma_wait3A_35, %dma_wait3A_36] : memref<2x128x128xf32, #tpu.memory_space<vmem>> -> memref<1x128x128xf32, #tpu.memory_space<vmem>>
        %dma_wait3A_38 = tpu.memref_squeeze %dma_wait3A_37 : memref<1x128x128xf32, #tpu.memory_space<vmem>> -> memref<128x128xf32, #tpu.memory_space<vmem>>
        %dma_wait3A_39 = arith.constant 0 : i32
        %dma_wait3A_40 = tpu.memref_slice %arg9[%dma_wait3A_33, %dma_wait3A_39] : memref<20x128xi32, #tpu.memory_space<vmem>> -> memref<1x128xi32, #tpu.memory_space<vmem>>
        %dma_wait3A_41 = tpu.memref_squeeze %dma_wait3A_40 : memref<1x128xi32, #tpu.memory_space<vmem>> -> memref<128xi32, #tpu.memory_space<vmem>>
        %dma_wait3A_42 = arith.constant 0 : i32
        %dma_wait3A_43 = arith.constant 0 : i32
        %dma_wait3A_44 = tpu.memref_slice %arg7[%dma_wait3A_42, %dma_wait3A_43] : memref<10112x128xf32, #tpu.memory_space<vmem_shared>> -> memref<10112x128xf32, #tpu.memory_space<vmem_shared>>
        %dma_wait3A_45 = tpu.memref_slice %arg12[%dma_wait3A_34] : memref<2x!tpu.dma_semaphore, #tpu.memory_space<semaphore_mem>> -> memref<1x!tpu.dma_semaphore, #tpu.memory_space<semaphore_mem>>
        %dma_wait3A_46 = tpu.memref_squeeze %dma_wait3A_45 : memref<1x!tpu.dma_semaphore, #tpu.memory_space<semaphore_mem>> -> memref<!tpu.dma_semaphore, #tpu.memory_space<semaphore_mem>>
        tpu.wait_indirect_dma semaphore(%dma_wait3A_46 : memref<!tpu.dma_semaphore, #tpu.memory_space<semaphore_mem>>) src(%dma_wait3A_38 : memref<128x128xf32, #tpu.memory_space<vmem>>) dst(%dma_wait3A_44 : memref<10112x128xf32, #tpu.memory_space<vmem_shared>>)
      } else {
      }
    }
    %scan3A_8 = arith.constant 7 : i32
    %barrier3A_9 = arith.constant 0 : index
    tpu.barrier barrier_id(%barrier3A_9)
    "tpu.region"() ({
      %run_scoped3A = tpu.sem_alloc : memref<!tpu.dma_semaphore, #tpu.memory_space<semaphore_mem>>
      %dma_start3A = arith.constant 0 : i32
      %dma_start3A_10 = tpu.memref_slice %arg6[%arg0, %mul3A_0, %dma_start3A] : memref<2x10112x128xf32, #tpu.memory_space<hbm>> -> memref<1x632x128xf32, #tpu.memory_space<hbm>>
      %dma_start3A_11 = tpu.memref_squeeze %dma_start3A_10 : memref<1x632x128xf32, #tpu.memory_space<hbm>> -> memref<632x128xf32, #tpu.memory_space<hbm>>
      %dma_start3A_12 = arith.constant 0 : i32
      %dma_start3A_13 = tpu.memref_slice %arg7[%mul3A_0, %dma_start3A_12] : memref<10112x128xf32, #tpu.memory_space<vmem_shared>> -> memref<632x128xf32, #tpu.memory_space<vmem_shared>>
      tpu.enqueue_dma source(%dma_start3A_13 : memref<632x128xf32, #tpu.memory_space<vmem_shared>>) target(%dma_start3A_11 : memref<632x128xf32, #tpu.memory_space<hbm>>) target_semaphore(%run_scoped3A : memref<!tpu.dma_semaphore, #tpu.memory_space<semaphore_mem>>)
      %dma_wait3A = arith.constant 0 : i32
      %dma_wait3A_14 = tpu.memref_slice %arg6[%arg0, %mul3A_0, %dma_wait3A] : memref<2x10112x128xf32, #tpu.memory_space<hbm>> -> memref<1x632x128xf32, #tpu.memory_space<hbm>>
      %dma_wait3A_15 = tpu.memref_squeeze %dma_wait3A_14 : memref<1x632x128xf32, #tpu.memory_space<hbm>> -> memref<632x128xf32, #tpu.memory_space<hbm>>
      %dma_wait3A_16 = arith.constant 0 : i32
      %dma_wait3A_17 = tpu.memref_slice %arg7[%mul3A_0, %dma_wait3A_16] : memref<10112x128xf32, #tpu.memory_space<vmem_shared>> -> memref<632x128xf32, #tpu.memory_space<vmem_shared>>
      tpu.wait_dma2 semaphore(%run_scoped3A : memref<!tpu.dma_semaphore, #tpu.memory_space<semaphore_mem>>) src(%dma_wait3A_17 : memref<632x128xf32, #tpu.memory_space<vmem_shared>>) dst(%dma_wait3A_15 : memref<632x128xf32, #tpu.memory_space<hbm>>)
      tpu.yield
    }) : () -> ()
    return
  }
}

module attributes {stable_mosaic.version = 14 : i64} {
  func.func @_prescale_kernel(%arg0: i32, %arg1: memref<400x64xf32, #tpu.memory_space<vmem>>, %arg2: memref<400x64xf32, #tpu.memory_space<vmem>>, %arg3: memref<1x400x128xf32, #tpu.memory_space<vmem>>, %arg4: memref<1x400x128xf32, #tpu.memory_space<vmem>>, %arg5: memref<400x128xf32, #tpu.memory_space<vmem>>) attributes {dimension_semantics = [#tpu.dimension_semantics<arbitrary>], iteration_bounds = array<i64: 25>, scalar_prefetch = 0 : i64, scratch_operands = 0 : i64, tpu.core_type = #tpu.core_type<tc>, window_params = [{transform_indices = @transform_0, window_bounds = array<i64: 400, 64>}, {transform_indices = @transform_1, window_bounds = array<i64: 400, 64>}, {transform_indices = @transform_2, window_bounds = array<i64: 1, 400, 128>}, {transform_indices = @transform_3, window_bounds = array<i64: 1, 400, 128>}, {transform_indices = @transform_4, window_bounds = array<i64: 400, 128>}]} {
    %get3A = arith.constant 0 : index
    %get3A_0 = arith.constant 0 : index
    %get3A_1 = arith.constant 0 : index
    %get3A_2 = vector.load %arg3[%get3A, %get3A_0, %get3A_1] : memref<1x400x128xf32, #tpu.memory_space<vmem>>, vector<1x400x1xf32>
    %get3A_3 = vector.shape_cast %get3A_2 : vector<1x400x1xf32> to vector<400x1xf32>
    %get3A_4 = arith.constant 0 : index
    %get3A_5 = arith.constant 0 : index
    %get3A_6 = arith.constant 0 : index
    %get3A_7 = vector.load %arg4[%get3A_4, %get3A_5, %get3A_6] : memref<1x400x128xf32, #tpu.memory_space<vmem>>, vector<1x400x1xf32>
    %get3A_8 = vector.shape_cast %get3A_7 : vector<1x400x1xf32> to vector<400x1xf32>
    %add3A = arith.addf %get3A_3, %get3A_8 : vector<400x1xf32>
    %add3A_9 = arith.constant 1.000000e+00 : f32
    %add3A_10 = vector.broadcast %add3A_9 : f32 to vector<400x1xf32>
    %add3A_11 = arith.addf %add3A, %add3A_10 : vector<400x1xf32>
    %rsqrt3A = math.rsqrt %add3A_11 : vector<400x1xf32>
    %get3A_12 = arith.constant 0 : index
    %get3A_13 = arith.constant 0 : index
    %get3A_14 = vector.load %arg1[%get3A_12, %get3A_13] : memref<400x64xf32, #tpu.memory_space<vmem>>, vector<400x64xf32>
    %get3A_15 = arith.constant 0 : index
    %get3A_16 = arith.constant 0 : index
    %get3A_17 = vector.load %arg2[%get3A_15, %get3A_16] : memref<400x64xf32, #tpu.memory_space<vmem>>, vector<400x64xf32>
    %concatenate3A = tpu.concatenate %get3A_14, %get3A_17 in 1 : vector<400x64xf32>, vector<400x64xf32> -> vector<400x128xf32>
    %mul3A = vector.broadcast %rsqrt3A : vector<400x1xf32> to vector<400x128xf32>
    %mul3A_18 = arith.mulf %concatenate3A, %mul3A : vector<400x128xf32>
    %swap3A = arith.constant 0 : index
    %swap3A_19 = arith.constant 0 : index
    %swap3A_20 = vector.load %arg5[%swap3A, %swap3A_19] : memref<400x128xf32, #tpu.memory_space<vmem>>, vector<400x128xf32>
    tpu.vector_store %arg5[%swap3A, %swap3A_19], %mul3A_18 {strides = array<i32>} : memref<400x128xf32, #tpu.memory_space<vmem>>, vector<400x128xf32>,
    return
  }
  func.func @transform_0(%arg0: i32) -> (i32, i32) {
    %c0_i32 = arith.constant 0 : i32
    %c0_i32_0 = arith.constant 0 : i32
    return %arg0, %c0_i32 : i32, i32
  }
  func.func @transform_1(%arg0: i32) -> (i32, i32) {
    %c0_i32 = arith.constant 0 : i32
    %c0_i32_0 = arith.constant 0 : i32
    return %arg0, %c0_i32 : i32, i32
  }
  func.func @transform_2(%arg0: i32) -> (i32, i32, i32) {
    %c0_i32 = arith.constant 0 : i32
    %c0_i32_0 = arith.constant 0 : i32
    %c0_i32_1 = arith.constant 0 : i32
    return %c0_i32, %arg0, %c0_i32_0 : i32, i32, i32
  }
  func.func @transform_3(%arg0: i32) -> (i32, i32, i32) {
    %c1_i32 = arith.constant 1 : i32
    %c0_i32 = arith.constant 0 : i32
    %c0_i32_0 = arith.constant 0 : i32
    return %c1_i32, %arg0, %c0_i32 : i32, i32, i32
  }
  func.func @transform_4(%arg0: i32) -> (i32, i32) {
    %c0_i32 = arith.constant 0 : i32
    %c0_i32_0 = arith.constant 0 : i32
    return %arg0, %c0_i32 : i32, i32
  }
}

module attributes {stable_mosaic.version = 14 : i64} {
  func.func @_layer1_kernel(%arg0: i32, %arg1: memref<1x400x128xf32, #tpu.memory_space<vmem>>, %arg2: memref<1x400x128xf32, #tpu.memory_space<vmem>>, %arg3: memref<400x128xf32, #tpu.memory_space<vmem>>, %arg4: memref<1x400x128xf32, #tpu.memory_space<vmem>>, %arg5: memref<1x400x128xf32, #tpu.memory_space<vmem>>, %arg6: memref<128x256xf32, #tpu.memory_space<vmem>>, %arg7: memref<1x256xf32, #tpu.memory_space<vmem>>, %arg8: memref<400x256xf32, #tpu.memory_space<vmem>>, %arg9: memref<1x256xf32, #tpu.memory_space<vmem>>, %arg10: memref<1x256xf32, #tpu.memory_space<vmem>>) attributes {dimension_semantics = [#tpu.dimension_semantics<arbitrary>], iteration_bounds = array<i64: 25>, scalar_prefetch = 0 : i64, scratch_operands = 0 : i64, tpu.core_type = #tpu.core_type<tc>, window_params = [{transform_indices = @transform_0, window_bounds = array<i64: 1, 400, 128>}, {transform_indices = @transform_1, window_bounds = array<i64: 1, 400, 128>}, {transform_indices = @transform_2, window_bounds = array<i64: 400, 128>}, {transform_indices = @transform_3, window_bounds = array<i64: 1, 400, 128>}, {transform_indices = @transform_4, window_bounds = array<i64: 1, 400, 128>}, {pipeline_mode = #tpu.pipeline_mode<synchronous>, transform_indices = @transform_5, window_bounds = array<i64: 128, 256>}, {pipeline_mode = #tpu.pipeline_mode<synchronous>, transform_indices = @transform_6, window_bounds = array<i64: 1, 256>}, {transform_indices = @transform_7, window_bounds = array<i64: 400, 256>}, {pipeline_mode = #tpu.pipeline_mode<synchronous>, transform_indices = @transform_8, window_bounds = array<i64: 1, 256>}, {pipeline_mode = #tpu.pipeline_mode<synchronous>, transform_indices = @transform_9, window_bounds = array<i64: 1, 256>}]} {
    %get3A = arith.constant 0 : index
    %get3A_0 = arith.constant 0 : index
    %get3A_1 = arith.constant 0 : index
    %get3A_2 = vector.load %arg4[%get3A, %get3A_0, %get3A_1] : memref<1x400x128xf32, #tpu.memory_space<vmem>>, vector<1x400x1xf32>
    %get3A_3 = vector.shape_cast %get3A_2 : vector<1x400x1xf32> to vector<400x1xf32>
    %get3A_4 = arith.constant 0 : index
    %get3A_5 = arith.constant 0 : index
    %get3A_6 = arith.constant 0 : index
    %get3A_7 = vector.load %arg5[%get3A_4, %get3A_5, %get3A_6] : memref<1x400x128xf32, #tpu.memory_space<vmem>>, vector<1x400x1xf32>
    %get3A_8 = vector.shape_cast %get3A_7 : vector<1x400x1xf32> to vector<400x1xf32>
    %add3A = arith.addf %get3A_3, %get3A_8 : vector<400x1xf32>
    %add3A_9 = arith.constant 1.000000e+00 : f32
    %add3A_10 = vector.broadcast %add3A_9 : f32 to vector<400x1xf32>
    %add3A_11 = arith.addf %add3A, %add3A_10 : vector<400x1xf32>
    %rsqrt3A = math.rsqrt %add3A_11 : vector<400x1xf32>
    %get3A_12 = arith.constant 0 : index
    %get3A_13 = arith.constant 0 : index
    %get3A_14 = arith.constant 0 : index
    %get3A_15 = vector.load %arg1[%get3A_12, %get3A_13, %get3A_14] : memref<1x400x128xf32, #tpu.memory_space<vmem>>, vector<1x400x128xf32>
    %get3A_16 = vector.shape_cast %get3A_15 : vector<1x400x128xf32> to vector<400x128xf32>
    %get3A_17 = arith.constant 0 : index
    %get3A_18 = arith.constant 0 : index
    %get3A_19 = arith.constant 0 : index
    %get3A_20 = vector.load %arg2[%get3A_17, %get3A_18, %get3A_19] : memref<1x400x128xf32, #tpu.memory_space<vmem>>, vector<1x400x128xf32>
    %get3A_21 = vector.shape_cast %get3A_20 : vector<1x400x128xf32> to vector<400x128xf32>
    %add3A_22 = arith.addf %get3A_16, %get3A_21 : vector<400x128xf32>
    %get3A_23 = arith.constant 0 : index
    %get3A_24 = arith.constant 0 : index
    %get3A_25 = vector.load %arg3[%get3A_23, %get3A_24] : memref<400x128xf32, #tpu.memory_space<vmem>>, vector<400x128xf32>
    %add3A_26 = arith.addf %add3A_22, %get3A_25 : vector<400x128xf32>
    %mul3A = vector.broadcast %rsqrt3A : vector<400x1xf32> to vector<400x128xf32>
    %mul3A_27 = arith.mulf %add3A_26, %mul3A : vector<400x128xf32>
    %get3A_28 = arith.constant 0 : index
    %get3A_29 = arith.constant 0 : index
    %get3A_30 = vector.load %arg6[%get3A_28, %get3A_29] : memref<128x256xf32, #tpu.memory_space<vmem>>, vector<128x256xf32>
    %dot_general3A = arith.constant dense<0.000000e+00> : vector<400x256xf32>
    %dot_general3A_31 = tpu.matmul %mul3A_27, %get3A_30, %dot_general3A {dimension_numbers = #tpu.dot_dimension_numbers<[1], [0], [0], [1], [0, 0, 1, 1], [], []>, transpose_lhs_hint = false} : vector<400x128xf32>, vector<128x256xf32>, vector<400x256xf32> -> vector<400x256xf32>
    %get3A_32 = arith.constant 0 : index
    %get3A_33 = arith.constant 0 : index
    %get3A_34 = vector.load %arg7[%get3A_32, %get3A_33] : memref<1x256xf32, #tpu.memory_space<vmem>>, vector<1x256xf32>
    %add3A_35 = vector.broadcast %get3A_34 : vector<1x256xf32> to vector<400x256xf32>
    %add3A_36 = arith.addf %dot_general3A_31, %add3A_35 : vector<400x256xf32>
    %swap3A = arith.constant 0 : index
    %swap3A_37 = arith.constant 0 : index
    %swap3A_38 = vector.load %arg8[%swap3A, %swap3A_37] : memref<400x256xf32, #tpu.memory_space<vmem>>, vector<400x256xf32>
    tpu.vector_store %arg8[%swap3A, %swap3A_37], %add3A_36 {strides = array<i32>} : memref<400x256xf32, #tpu.memory_space<vmem>>, vector<400x256xf32>,
    %reduce_sum3A = arith.constant dense<0.000000e+00> : vector<256xf32>
    %reduce_sum3A_39 = vector.multi_reduction <add>, %add3A_36, %reduce_sum3A [0] : vector<400x256xf32> to vector<256xf32>
    %broadcast_in_dim3A = vector.shape_cast %reduce_sum3A_39 : vector<256xf32> to vector<1x256xf32>
    %mul3A_40 = arith.mulf %add3A_36, %add3A_36 : vector<400x256xf32>
    %reduce_sum3A_41 = arith.constant dense<0.000000e+00> : vector<256xf32>
    %reduce_sum3A_42 = vector.multi_reduction <add>, %mul3A_40, %reduce_sum3A_41 [0] : vector<400x256xf32> to vector<256xf32>
    %broadcast_in_dim3A_43 = vector.shape_cast %reduce_sum3A_42 : vector<256xf32> to vector<1x256xf32>
    %eq3A = arith.constant 0 : i32
    %eq3A_44 = arith.cmpi eq, %arg0, %eq3A : i32
    %convert_element_type3A = arith.extui %eq3A_44 : i1 to i32
    %cond3A = arith.constant 0 : i32
    %cond3A_45 = arith.cmpi ne, %convert_element_type3A, %cond3A : i32
    scf.if %cond3A_45 {
      %swap3A_50 = arith.constant 0 : index
      %swap3A_51 = arith.constant 0 : index
      %swap3A_52 = vector.load %arg9[%swap3A_50, %swap3A_51] : memref<1x256xf32, #tpu.memory_space<vmem>>, vector<1x256xf32>
      tpu.vector_store %arg9[%swap3A_50, %swap3A_51], %broadcast_in_dim3A {strides = array<i32>} : memref<1x256xf32, #tpu.memory_space<vmem>>, vector<1x256xf32>,
      %swap3A_53 = arith.constant 0 : index
      %swap3A_54 = arith.constant 0 : index
      %swap3A_55 = vector.load %arg10[%swap3A_53, %swap3A_54] : memref<1x256xf32, #tpu.memory_space<vmem>>, vector<1x256xf32>
      tpu.vector_store %arg10[%swap3A_53, %swap3A_54], %broadcast_in_dim3A_43 {strides = array<i32>} : memref<1x256xf32, #tpu.memory_space<vmem>>, vector<1x256xf32>,
    } else {
    }
    %gt3A = arith.constant 0 : i32
    %gt3A_46 = arith.cmpi sgt, %arg0, %gt3A : i32
    %convert_element_type3A_47 = arith.extui %gt3A_46 : i1 to i32
    %cond3A_48 = arith.constant 0 : i32
    %cond3A_49 = arith.cmpi ne, %convert_element_type3A_47, %cond3A_48 : i32
    scf.if %cond3A_49 {
      %get3A_50 = arith.constant 0 : index
      %get3A_51 = arith.constant 0 : index
      %get3A_52 = vector.load %arg9[%get3A_50, %get3A_51] : memref<1x256xf32, #tpu.memory_space<vmem>>, vector<1x256xf32>
      %add3A_53 = arith.addf %get3A_52, %broadcast_in_dim3A : vector<1x256xf32>
      %swap3A_54 = arith.constant 0 : index
      %swap3A_55 = arith.constant 0 : index
      %swap3A_56 = vector.load %arg9[%swap3A_54, %swap3A_55] : memref<1x256xf32, #tpu.memory_space<vmem>>, vector<1x256xf32>
      tpu.vector_store %arg9[%swap3A_54, %swap3A_55], %add3A_53 {strides = array<i32>} : memref<1x256xf32, #tpu.memory_space<vmem>>, vector<1x256xf32>,
      %get3A_57 = arith.constant 0 : index
      %get3A_58 = arith.constant 0 : index
      %get3A_59 = vector.load %arg10[%get3A_57, %get3A_58] : memref<1x256xf32, #tpu.memory_space<vmem>>, vector<1x256xf32>
      %add3A_60 = arith.addf %get3A_59, %broadcast_in_dim3A_43 : vector<1x256xf32>
      %swap3A_61 = arith.constant 0 : index
      %swap3A_62 = arith.constant 0 : index
      %swap3A_63 = vector.load %arg10[%swap3A_61, %swap3A_62] : memref<1x256xf32, #tpu.memory_space<vmem>>, vector<1x256xf32>
      tpu.vector_store %arg10[%swap3A_61, %swap3A_62], %add3A_60 {strides = array<i32>} : memref<1x256xf32, #tpu.memory_space<vmem>>, vector<1x256xf32>,
    } else {
    }
    return
  }
  func.func @transform_0(%arg0: i32) -> (i32, i32, i32) {
    %c0_i32 = arith.constant 0 : i32
    %c0_i32_0 = arith.constant 0 : i32
    %c0_i32_1 = arith.constant 0 : i32
    return %c0_i32, %arg0, %c0_i32_0 : i32, i32, i32
  }
  func.func @transform_1(%arg0: i32) -> (i32, i32, i32) {
    %c1_i32 = arith.constant 1 : i32
    %c0_i32 = arith.constant 0 : i32
    %c0_i32_0 = arith.constant 0 : i32
    return %c1_i32, %arg0, %c0_i32 : i32, i32, i32
  }
  func.func @transform_2(%arg0: i32) -> (i32, i32) {
    %c0_i32 = arith.constant 0 : i32
    %c0_i32_0 = arith.constant 0 : i32
    return %arg0, %c0_i32 : i32, i32
  }
  func.func @transform_3(%arg0: i32) -> (i32, i32, i32) {
    %c0_i32 = arith.constant 0 : i32
    %c0_i32_0 = arith.constant 0 : i32
    %c0_i32_1 = arith.constant 0 : i32
    return %c0_i32, %arg0, %c0_i32_0 : i32, i32, i32
  }
  func.func @transform_4(%arg0: i32) -> (i32, i32, i32) {
    %c1_i32 = arith.constant 1 : i32
    %c0_i32 = arith.constant 0 : i32
    %c0_i32_0 = arith.constant 0 : i32
    return %c1_i32, %arg0, %c0_i32 : i32, i32, i32
  }
  func.func @transform_5(%arg0: i32) -> (i32, i32) {
    %c0_i32 = arith.constant 0 : i32
    %c0_i32_0 = arith.constant 0 : i32
    %c0_i32_1 = arith.constant 0 : i32
    return %c0_i32, %c0_i32_0 : i32, i32
  }
  func.func @transform_6(%arg0: i32) -> (i32, i32) {
    %c0_i32 = arith.constant 0 : i32
    %c0_i32_0 = arith.constant 0 : i32
    %c0_i32_1 = arith.constant 0 : i32
    return %c0_i32, %c0_i32_0 : i32, i32
  }
  func.func @transform_7(%arg0: i32) -> (i32, i32) {
    %c0_i32 = arith.constant 0 : i32
    %c0_i32_0 = arith.constant 0 : i32
    return %arg0, %c0_i32 : i32, i32
  }
  func.func @transform_8(%arg0: i32) -> (i32, i32) {
    %c0_i32 = arith.constant 0 : i32
    %c0_i32_0 = arith.constant 0 : i32
    %c0_i32_1 = arith.constant 0 : i32
    return %c0_i32, %c0_i32_0 : i32, i32
  }
  func.func @transform_9(%arg0: i32) -> (i32, i32) {
    %c0_i32 = arith.constant 0 : i32
    %c0_i32_0 = arith.constant 0 : i32
    %c0_i32_1 = arith.constant 0 : i32
    return %c0_i32, %c0_i32_0 : i32, i32
  }
}

module attributes {stable_mosaic.version = 14 : i64} {
  func.func @_final_kernel(%arg0: i32, %arg1: memref<1x400x128xf32, #tpu.memory_space<vmem>>, %arg2: memref<1x400x128xf32, #tpu.memory_space<vmem>>, %arg3: memref<400x128xf32, #tpu.memory_space<vmem>>, %arg4: memref<1x400x128xf32, #tpu.memory_space<vmem>>, %arg5: memref<1x400x128xf32, #tpu.memory_space<vmem>>, %arg6: memref<1x128xf32, #tpu.memory_space<vmem>>, %arg7: memref<400x128xf32, #tpu.memory_space<vmem>>, %arg8: memref<1x128xf32, #tpu.memory_space<vmem>>, %arg9: memref<1x128xf32, #tpu.memory_space<vmem>>) attributes {dimension_semantics = [#tpu.dimension_semantics<arbitrary>], iteration_bounds = array<i64: 25>, scalar_prefetch = 0 : i64, scratch_operands = 0 : i64, tpu.core_type = #tpu.core_type<tc>, window_params = [{transform_indices = @transform_0, window_bounds = array<i64: 1, 400, 128>}, {transform_indices = @transform_1, window_bounds = array<i64: 1, 400, 128>}, {transform_indices = @transform_2, window_bounds = array<i64: 400, 128>}, {transform_indices = @transform_3, window_bounds = array<i64: 1, 400, 128>}, {transform_indices = @transform_4, window_bounds = array<i64: 1, 400, 128>}, {pipeline_mode = #tpu.pipeline_mode<synchronous>, transform_indices = @transform_5, window_bounds = array<i64: 1, 128>}, {transform_indices = @transform_6, window_bounds = array<i64: 400, 128>}, {pipeline_mode = #tpu.pipeline_mode<synchronous>, transform_indices = @transform_7, window_bounds = array<i64: 1, 128>}, {pipeline_mode = #tpu.pipeline_mode<synchronous>, transform_indices = @transform_8, window_bounds = array<i64: 1, 128>}]} {
    %get3A = arith.constant 0 : index
    %get3A_0 = arith.constant 0 : index
    %get3A_1 = arith.constant 0 : index
    %get3A_2 = vector.load %arg4[%get3A, %get3A_0, %get3A_1] : memref<1x400x128xf32, #tpu.memory_space<vmem>>, vector<1x400x1xf32>
    %get3A_3 = vector.shape_cast %get3A_2 : vector<1x400x1xf32> to vector<400x1xf32>
    %get3A_4 = arith.constant 0 : index
    %get3A_5 = arith.constant 0 : index
    %get3A_6 = arith.constant 0 : index
    %get3A_7 = vector.load %arg5[%get3A_4, %get3A_5, %get3A_6] : memref<1x400x128xf32, #tpu.memory_space<vmem>>, vector<1x400x1xf32>
    %get3A_8 = vector.shape_cast %get3A_7 : vector<1x400x1xf32> to vector<400x1xf32>
    %add3A = arith.addf %get3A_3, %get3A_8 : vector<400x1xf32>
    %add3A_9 = arith.constant 1.000000e+00 : f32
    %add3A_10 = vector.broadcast %add3A_9 : f32 to vector<400x1xf32>
    %add3A_11 = arith.addf %add3A, %add3A_10 : vector<400x1xf32>
    %rsqrt3A = math.rsqrt %add3A_11 : vector<400x1xf32>
    %get3A_12 = arith.constant 0 : index
    %get3A_13 = arith.constant 0 : index
    %get3A_14 = arith.constant 0 : index
    %get3A_15 = vector.load %arg1[%get3A_12, %get3A_13, %get3A_14] : memref<1x400x128xf32, #tpu.memory_space<vmem>>, vector<1x400x128xf32>
    %get3A_16 = vector.shape_cast %get3A_15 : vector<1x400x128xf32> to vector<400x128xf32>
    %get3A_17 = arith.constant 0 : index
    %get3A_18 = arith.constant 0 : index
    %get3A_19 = arith.constant 0 : index
    %get3A_20 = vector.load %arg2[%get3A_17, %get3A_18, %get3A_19] : memref<1x400x128xf32, #tpu.memory_space<vmem>>, vector<1x400x128xf32>
    %get3A_21 = vector.shape_cast %get3A_20 : vector<1x400x128xf32> to vector<400x128xf32>
    %add3A_22 = arith.addf %get3A_16, %get3A_21 : vector<400x128xf32>
    %get3A_23 = arith.constant 0 : index
    %get3A_24 = arith.constant 0 : index
    %get3A_25 = vector.load %arg3[%get3A_23, %get3A_24] : memref<400x128xf32, #tpu.memory_space<vmem>>, vector<400x128xf32>
    %add3A_26 = arith.addf %add3A_22, %get3A_25 : vector<400x128xf32>
    %mul3A = vector.broadcast %rsqrt3A : vector<400x1xf32> to vector<400x128xf32>
    %mul3A_27 = arith.mulf %add3A_26, %mul3A : vector<400x128xf32>
    %get3A_28 = arith.constant 0 : index
    %get3A_29 = arith.constant 0 : index
    %get3A_30 = vector.load %arg6[%get3A_28, %get3A_29] : memref<1x128xf32, #tpu.memory_space<vmem>>, vector<1x128xf32>
    %add3A_31 = vector.broadcast %get3A_30 : vector<1x128xf32> to vector<400x128xf32>
    %add3A_32 = arith.addf %mul3A_27, %add3A_31 : vector<400x128xf32>
    %swap3A = arith.constant 0 : index
    %swap3A_33 = arith.constant 0 : index
    %swap3A_34 = vector.load %arg7[%swap3A, %swap3A_33] : memref<400x128xf32, #tpu.memory_space<vmem>>, vector<400x128xf32>
    tpu.vector_store %arg7[%swap3A, %swap3A_33], %add3A_32 {strides = array<i32>} : memref<400x128xf32, #tpu.memory_space<vmem>>, vector<400x128xf32>,
    %reduce_sum3A = arith.constant dense<0.000000e+00> : vector<128xf32>
    %reduce_sum3A_35 = vector.multi_reduction <add>, %add3A_32, %reduce_sum3A [0] : vector<400x128xf32> to vector<128xf32>
    %broadcast_in_dim3A = vector.shape_cast %reduce_sum3A_35 : vector<128xf32> to vector<1x128xf32>
    %mul3A_36 = arith.mulf %add3A_32, %add3A_32 : vector<400x128xf32>
    %reduce_sum3A_37 = arith.constant dense<0.000000e+00> : vector<128xf32>
    %reduce_sum3A_38 = vector.multi_reduction <add>, %mul3A_36, %reduce_sum3A_37 [0] : vector<400x128xf32> to vector<128xf32>
    %broadcast_in_dim3A_39 = vector.shape_cast %reduce_sum3A_38 : vector<128xf32> to vector<1x128xf32>
    %eq3A = arith.constant 0 : i32
    %eq3A_40 = arith.cmpi eq, %arg0, %eq3A : i32
    %convert_element_type3A = arith.extui %eq3A_40 : i1 to i32
    %cond3A = arith.constant 0 : i32
    %cond3A_41 = arith.cmpi ne, %convert_element_type3A, %cond3A : i32
    scf.if %cond3A_41 {
      %swap3A_46 = arith.constant 0 : index
      %swap3A_47 = arith.constant 0 : index
      %swap3A_48 = vector.load %arg8[%swap3A_46, %swap3A_47] : memref<1x128xf32, #tpu.memory_space<vmem>>, vector<1x128xf32>
      tpu.vector_store %arg8[%swap3A_46, %swap3A_47], %broadcast_in_dim3A {strides = array<i32>} : memref<1x128xf32, #tpu.memory_space<vmem>>, vector<1x128xf32>,
      %swap3A_49 = arith.constant 0 : index
      %swap3A_50 = arith.constant 0 : index
      %swap3A_51 = vector.load %arg9[%swap3A_49, %swap3A_50] : memref<1x128xf32, #tpu.memory_space<vmem>>, vector<1x128xf32>
      tpu.vector_store %arg9[%swap3A_49, %swap3A_50], %broadcast_in_dim3A_39 {strides = array<i32>} : memref<1x128xf32, #tpu.memory_space<vmem>>, vector<1x128xf32>,
    } else {
    }
    %gt3A = arith.constant 0 : i32
    %gt3A_42 = arith.cmpi sgt, %arg0, %gt3A : i32
    %convert_element_type3A_43 = arith.extui %gt3A_42 : i1 to i32
    %cond3A_44 = arith.constant 0 : i32
    %cond3A_45 = arith.cmpi ne, %convert_element_type3A_43, %cond3A_44 : i32
    scf.if %cond3A_45 {
      %get3A_46 = arith.constant 0 : index
      %get3A_47 = arith.constant 0 : index
      %get3A_48 = vector.load %arg8[%get3A_46, %get3A_47] : memref<1x128xf32, #tpu.memory_space<vmem>>, vector<1x128xf32>
      %add3A_49 = arith.addf %get3A_48, %broadcast_in_dim3A : vector<1x128xf32>
      %swap3A_50 = arith.constant 0 : index
      %swap3A_51 = arith.constant 0 : index
      %swap3A_52 = vector.load %arg8[%swap3A_50, %swap3A_51] : memref<1x128xf32, #tpu.memory_space<vmem>>, vector<1x128xf32>
      tpu.vector_store %arg8[%swap3A_50, %swap3A_51], %add3A_49 {strides = array<i32>} : memref<1x128xf32, #tpu.memory_space<vmem>>, vector<1x128xf32>,
      %get3A_53 = arith.constant 0 : index
      %get3A_54 = arith.constant 0 : index
      %get3A_55 = vector.load %arg9[%get3A_53, %get3A_54] : memref<1x128xf32, #tpu.memory_space<vmem>>, vector<1x128xf32>
      %add3A_56 = arith.addf %get3A_55, %broadcast_in_dim3A_39 : vector<1x128xf32>
      %swap3A_57 = arith.constant 0 : index
      %swap3A_58 = arith.constant 0 : index
      %swap3A_59 = vector.load %arg9[%swap3A_57, %swap3A_58] : memref<1x128xf32, #tpu.memory_space<vmem>>, vector<1x128xf32>
      tpu.vector_store %arg9[%swap3A_57, %swap3A_58], %add3A_56 {strides = array<i32>} : memref<1x128xf32, #tpu.memory_space<vmem>>, vector<1x128xf32>,
    } else {
    }
    return
  }
  func.func @transform_0(%arg0: i32) -> (i32, i32, i32) {
    %c0_i32 = arith.constant 0 : i32
    %c0_i32_0 = arith.constant 0 : i32
    %c0_i32_1 = arith.constant 0 : i32
    return %c0_i32, %arg0, %c0_i32_0 : i32, i32, i32
  }
  func.func @transform_1(%arg0: i32) -> (i32, i32, i32) {
    %c1_i32 = arith.constant 1 : i32
    %c0_i32 = arith.constant 0 : i32
    %c0_i32_0 = arith.constant 0 : i32
    return %c1_i32, %arg0, %c0_i32 : i32, i32, i32
  }
  func.func @transform_2(%arg0: i32) -> (i32, i32) {
    %c0_i32 = arith.constant 0 : i32
    %c0_i32_0 = arith.constant 0 : i32
    return %arg0, %c0_i32 : i32, i32
  }
  func.func @transform_3(%arg0: i32) -> (i32, i32, i32) {
    %c0_i32 = arith.constant 0 : i32
    %c0_i32_0 = arith.constant 0 : i32
    %c0_i32_1 = arith.constant 0 : i32
    return %c0_i32, %arg0, %c0_i32_0 : i32, i32, i32
  }
  func.func @transform_4(%arg0: i32) -> (i32, i32, i32) {
    %c1_i32 = arith.constant 1 : i32
    %c0_i32 = arith.constant 0 : i32
    %c0_i32_0 = arith.constant 0 : i32
    return %c1_i32, %arg0, %c0_i32 : i32, i32, i32
  }
  func.func @transform_5(%arg0: i32) -> (i32, i32) {
    %c0_i32 = arith.constant 0 : i32
    %c0_i32_0 = arith.constant 0 : i32
    %c0_i32_1 = arith.constant 0 : i32
    return %c0_i32, %c0_i32_0 : i32, i32
  }
  func.func @transform_6(%arg0: i32) -> (i32, i32) {
    %c0_i32 = arith.constant 0 : i32
    %c0_i32_0 = arith.constant 0 : i32
    return %arg0, %c0_i32 : i32, i32
  }
  func.func @transform_7(%arg0: i32) -> (i32, i32) {
    %c0_i32 = arith.constant 0 : i32
    %c0_i32_0 = arith.constant 0 : i32
    %c0_i32_1 = arith.constant 0 : i32
    return %c0_i32, %c0_i32_0 : i32, i32
  }
  func.func @transform_8(%arg0: i32) -> (i32, i32) {
    %c0_i32 = arith.constant 0 : i32
    %c0_i32_0 = arith.constant 0 : i32
    %c0_i32_1 = arith.constant 0 : i32
    return %c0_i32, %c0_i32_0 : i32, i32
  }
}

module attributes {stable_mosaic.version = 14 : i64} {
  func.func @_layer2a_kernel(%arg0: i32, %arg1: memref<400x256xf32, #tpu.memory_space<vmem>>, %arg2: memref<1x256xf32, #tpu.memory_space<vmem>>, %arg3: memref<1x256xf32, #tpu.memory_space<vmem>>, %arg4: memref<256x128xf32, #tpu.memory_space<vmem>>, %arg5: memref<1x400x128xf32, #tpu.memory_space<vmem>>, %arg6: memref<1x400x128xf32, #tpu.memory_space<vmem>>, %arg7: memref<400x128xf32, #tpu.memory_space<vmem>>) attributes {dimension_semantics = [#tpu.dimension_semantics<arbitrary>], iteration_bounds = array<i64: 25>, scalar_prefetch = 0 : i64, scratch_operands = 0 : i64, tpu.core_type = #tpu.core_type<tc>, window_params = [{transform_indices = @transform_0, window_bounds = array<i64: 400, 256>}, {pipeline_mode = #tpu.pipeline_mode<synchronous>, transform_indices = @transform_1, window_bounds = array<i64: 1, 256>}, {pipeline_mode = #tpu.pipeline_mode<synchronous>, transform_indices = @transform_2, window_bounds = array<i64: 1, 256>}, {pipeline_mode = #tpu.pipeline_mode<synchronous>, transform_indices = @transform_3, window_bounds = array<i64: 256, 128>}, {transform_indices = @transform_4, window_bounds = array<i64: 1, 400, 128>}, {transform_indices = @transform_5, window_bounds = array<i64: 1, 400, 128>}, {transform_indices = @transform_6, window_bounds = array<i64: 400, 128>}]} {
    %get3A = arith.constant 0 : index
    %get3A_0 = arith.constant 0 : index
    %get3A_1 = arith.constant 0 : index
    %get3A_2 = vector.load %arg5[%get3A, %get3A_0, %get3A_1] : memref<1x400x128xf32, #tpu.memory_space<vmem>>, vector<1x400x1xf32>
    %get3A_3 = vector.shape_cast %get3A_2 : vector<1x400x1xf32> to vector<400x1xf32>
    %get3A_4 = arith.constant 0 : index
    %get3A_5 = arith.constant 0 : index
    %get3A_6 = arith.constant 0 : index
    %get3A_7 = vector.load %arg6[%get3A_4, %get3A_5, %get3A_6] : memref<1x400x128xf32, #tpu.memory_space<vmem>>, vector<1x400x1xf32>
    %get3A_8 = vector.shape_cast %get3A_7 : vector<1x400x1xf32> to vector<400x1xf32>
    %add3A = arith.addf %get3A_3, %get3A_8 : vector<400x1xf32>
    %add3A_9 = arith.constant 1.000000e+00 : f32
    %add3A_10 = vector.broadcast %add3A_9 : f32 to vector<400x1xf32>
    %add3A_11 = arith.addf %add3A, %add3A_10 : vector<400x1xf32>
    %rsqrt3A = math.rsqrt %add3A_11 : vector<400x1xf32>
    %get3A_12 = arith.constant 0 : index
    %get3A_13 = arith.constant 0 : index
    %get3A_14 = vector.load %arg1[%get3A_12, %get3A_13] : memref<400x256xf32, #tpu.memory_space<vmem>>, vector<400x256xf32>
    %get3A_15 = arith.constant 0 : index
    %get3A_16 = arith.constant 0 : index
    %get3A_17 = vector.load %arg2[%get3A_15, %get3A_16] : memref<1x256xf32, #tpu.memory_space<vmem>>, vector<1x256xf32>
    %mul3A = vector.broadcast %get3A_17 : vector<1x256xf32> to vector<400x256xf32>
    %mul3A_18 = arith.mulf %get3A_14, %mul3A : vector<400x256xf32>
    %get3A_19 = arith.constant 0 : index
    %get3A_20 = arith.constant 0 : index
    %get3A_21 = vector.load %arg3[%get3A_19, %get3A_20] : memref<1x256xf32, #tpu.memory_space<vmem>>, vector<1x256xf32>
    %add3A_22 = vector.broadcast %get3A_21 : vector<1x256xf32> to vector<400x256xf32>
    %add3A_23 = arith.addf %mul3A_18, %add3A_22 : vector<400x256xf32>
    %max3A = arith.constant 0.000000e+00 : f32
    %max3A_24 = vector.broadcast %max3A : f32 to vector<400x256xf32>
    %max3A_25 = arith.maximumf %add3A_23, %max3A_24 : vector<400x256xf32>
    %get3A_26 = arith.constant 0 : index
    %get3A_27 = arith.constant 0 : index
    %get3A_28 = vector.load %arg4[%get3A_26, %get3A_27] : memref<256x128xf32, #tpu.memory_space<vmem>>, vector<256x128xf32>
    %dot_general3A = arith.constant dense<0.000000e+00> : vector<400x128xf32>
    %dot_general3A_29 = tpu.matmul %max3A_25, %get3A_28, %dot_general3A {dimension_numbers = #tpu.dot_dimension_numbers<[1], [0], [0], [1], [0, 0, 1, 1], [], []>, transpose_lhs_hint = false} : vector<400x256xf32>, vector<256x128xf32>, vector<400x128xf32> -> vector<400x128xf32>
    %mul3A_30 = vector.broadcast %rsqrt3A : vector<400x1xf32> to vector<400x128xf32>
    %mul3A_31 = arith.mulf %dot_general3A_29, %mul3A_30 : vector<400x128xf32>
    %swap3A = arith.constant 0 : index
    %swap3A_32 = arith.constant 0 : index
    %swap3A_33 = vector.load %arg7[%swap3A, %swap3A_32] : memref<400x128xf32, #tpu.memory_space<vmem>>, vector<400x128xf32>
    tpu.vector_store %arg7[%swap3A, %swap3A_32], %mul3A_31 {strides = array<i32>} : memref<400x128xf32, #tpu.memory_space<vmem>>, vector<400x128xf32>,
    return
  }
  func.func @transform_0(%arg0: i32) -> (i32, i32) {
    %c0_i32 = arith.constant 0 : i32
    %c0_i32_0 = arith.constant 0 : i32
    return %arg0, %c0_i32 : i32, i32
  }
  func.func @transform_1(%arg0: i32) -> (i32, i32) {
    %c0_i32 = arith.constant 0 : i32
    %c0_i32_0 = arith.constant 0 : i32
    %c0_i32_1 = arith.constant 0 : i32
    return %c0_i32, %c0_i32_0 : i32, i32
  }
  func.func @transform_2(%arg0: i32) -> (i32, i32) {
    %c0_i32 = arith.constant 0 : i32
    %c0_i32_0 = arith.constant 0 : i32
    %c0_i32_1 = arith.constant 0 : i32
    return %c0_i32, %c0_i32_0 : i32, i32
  }
  func.func @transform_3(%arg0: i32) -> (i32, i32) {
    %c0_i32 = arith.constant 0 : i32
    %c0_i32_0 = arith.constant 0 : i32
    %c0_i32_1 = arith.constant 0 : i32
    return %c0_i32, %c0_i32_0 : i32, i32
  }
  func.func @transform_4(%arg0: i32) -> (i32, i32, i32) {
    %c0_i32 = arith.constant 0 : i32
    %c0_i32_0 = arith.constant 0 : i32
    %c0_i32_1 = arith.constant 0 : i32
    return %c0_i32, %arg0, %c0_i32_0 : i32, i32, i32
  }
  func.func @transform_5(%arg0: i32) -> (i32, i32, i32) {
    %c1_i32 = arith.constant 1 : i32
    %c0_i32 = arith.constant 0 : i32
    %c0_i32_0 = arith.constant 0 : i32
    return %c1_i32, %arg0, %c0_i32 : i32, i32, i32
  }
  func.func @transform_6(%arg0: i32) -> (i32, i32) {
    %c0_i32 = arith.constant 0 : i32
    %c0_i32_0 = arith.constant 0 : i32
    return %arg0, %c0_i32 : i32, i32
  }
}

module attributes {stable_mosaic.version = 14 : i64} {
  func.func @_affine_kernel(%arg0: i32, %arg1: memref<400x128xf32, #tpu.memory_space<vmem>>, %arg2: memref<1x128xf32, #tpu.memory_space<vmem>>, %arg3: memref<1x128xf32, #tpu.memory_space<vmem>>, %arg4: memref<400x128xf32, #tpu.memory_space<vmem>>) attributes {dimension_semantics = [#tpu.dimension_semantics<arbitrary>], iteration_bounds = array<i64: 25>, scalar_prefetch = 0 : i64, scratch_operands = 0 : i64, tpu.core_type = #tpu.core_type<tc>, window_params = [{transform_indices = @transform_0, window_bounds = array<i64: 400, 128>}, {pipeline_mode = #tpu.pipeline_mode<synchronous>, transform_indices = @transform_1, window_bounds = array<i64: 1, 128>}, {pipeline_mode = #tpu.pipeline_mode<synchronous>, transform_indices = @transform_2, window_bounds = array<i64: 1, 128>}, {transform_indices = @transform_3, window_bounds = array<i64: 400, 128>}]} {
    %get3A = arith.constant 0 : index
    %get3A_0 = arith.constant 0 : index
    %get3A_1 = vector.load %arg1[%get3A, %get3A_0] : memref<400x128xf32, #tpu.memory_space<vmem>>, vector<400x128xf32>
    %get3A_2 = arith.constant 0 : index
    %get3A_3 = arith.constant 0 : index
    %get3A_4 = vector.load %arg2[%get3A_2, %get3A_3] : memref<1x128xf32, #tpu.memory_space<vmem>>, vector<1x128xf32>
    %mul3A = vector.broadcast %get3A_4 : vector<1x128xf32> to vector<400x128xf32>
    %mul3A_5 = arith.mulf %get3A_1, %mul3A : vector<400x128xf32>
    %get3A_6 = arith.constant 0 : index
    %get3A_7 = arith.constant 0 : index
    %get3A_8 = vector.load %arg3[%get3A_6, %get3A_7] : memref<1x128xf32, #tpu.memory_space<vmem>>, vector<1x128xf32>
    %add3A = vector.broadcast %get3A_8 : vector<1x128xf32> to vector<400x128xf32>
    %add3A_9 = arith.addf %mul3A_5, %add3A : vector<400x128xf32>
    %swap3A = arith.constant 0 : index
    %swap3A_10 = arith.constant 0 : index
    %swap3A_11 = vector.load %arg4[%swap3A, %swap3A_10] : memref<400x128xf32, #tpu.memory_space<vmem>>, vector<400x128xf32>
    tpu.vector_store %arg4[%swap3A, %swap3A_10], %add3A_9 {strides = array<i32>} : memref<400x128xf32, #tpu.memory_space<vmem>>, vector<400x128xf32>,
    return
  }
  func.func @transform_0(%arg0: i32) -> (i32, i32) {
    %c0_i32 = arith.constant 0 : i32
    %c0_i32_0 = arith.constant 0 : i32
    return %arg0, %c0_i32 : i32, i32
  }
  func.func @transform_1(%arg0: i32) -> (i32, i32) {
    %c0_i32 = arith.constant 0 : i32
    %c0_i32_0 = arith.constant 0 : i32
    %c0_i32_1 = arith.constant 0 : i32
    return %c0_i32, %c0_i32_0 : i32, i32
  }
  func.func @transform_2(%arg0: i32) -> (i32, i32) {
    %c0_i32 = arith.constant 0 : i32
    %c0_i32_0 = arith.constant 0 : i32
    %c0_i32_1 = arith.constant 0 : i32
    return %c0_i32, %c0_i32_0 : i32, i32
  }
  func.func @transform_3(%arg0: i32) -> (i32, i32) {
    %c0_i32 = arith.constant 0 : i32
    %c0_i32_0 = arith.constant 0 : i32
    return %arg0, %c0_i32 : i32, i32
  }
}

</mosaic_0001>

<sc_bundles>
// kernel: kernel.10.cloned.1.call-start
scs
__scs_entry_jumppad:
0x0: {  	(pc) =	sbr.rel $0x88, $3  }
0x1: {  	(tag) =	ssettag $0x0;
	lr =	simm.s32 $0x1  }
0x2: {  	[smem:$0x3F96] =	sst lr;
	_ =	strace $0xD0000000  }
0x3: {  	_ = 	snop  }
0x4: {  	_ = 	snop  }
0x5: {  	_ = 	snop  }
0x6: {  	_ = 	snop  }
0x7: {  	_ = 	snop  }
__scs_overlays_trampoline_lowered:
0x8: {  	[smem:$0x3FA5] =	sst s0  }
0x9: {  	[smem:$0x3FA6] =	sst s1  }
0xa: {  	[smem:$0x3FA7] =	sst s2  }
0xb: {  	[smem:$0x3FA8] =	sst s3  }
0xc: {  	[smem:$0x3FA9] =	sst s4  }
0xd: {  	[smem:$0x3FAA] =	sst s5  }
0xe: {  	[smem:$0x3FAB] =	sst s6  }
0xf: {  	[smem:$0x3FAC] =	sst s7  }
0x10: {  	[smem:$0x3FAD] =	sst s8  }
0x11: {  	[smem:$0x3FAE] =	sst s9;
	s0 =	simm.s32 @!p0 $0x0  }
0x12: {  	s1 =	sld [smem:$0x3F94];
	s0 =	simm.s32 @p0 $0x1  }
0x13: {  	[smem:$0x3FAF] =	sst s0;
	s0 =	simm.s32 @!p1 $0x0  }
0x14: {  	s2 =	sld [smem:$0x3F93];
	s0 =	simm.s32 @p1 $0x1  }
0x15: {  	[smem:$0x3FB0] =	sst s0;
	s0 =	simm.s32 @!p2 $0x0  }
0x16: {  	s3 =	sld [smem:$0x3FDB];
	s0 =	simm.s32 @p2 $0x1  }
0x17: {  	s4 =	simm.s32 $0x1BF5;
	[smem:$0x3FB2] =	sst s0  }
0x18: {  	s0 =	sld [smem:$0x3F95];
	_ =	swait.ge [sflag:s4], $0x0  }
0x19: {  	s7 =	sld [smem:$0x3F96]  }
0x1a: {  	s8 =	sadd.s32 $0xFFFFE003, lr  }
0x1b: {  	s9 =	sadd.s32 $0xFFFFFEF7, lr;
	s5 =	simm.s32 $0xFFFFFFFF;
	p2 =	slt.u32 s8, $0xFFFFF086  }
0x1c: {  	p1 =	slt.u32 s9, $0xF7A;
	s5 =	simm.s32 @!p2 $0x0  }
0x1d: {  	s5 =	simm.s32 @p1 $0x1;
	p0 =	seq.s32 s7, s2  }
0x1e: {  	s7 =	smul.u32 @!p0 $0xF7A, s2;
	p2 =	seq.s32 @!p0 s5, $0x0  }
0x1f: {  	s9 =	smul.u32 $0xF7A, s1;
	s8 =	simm.s32 @!p0 $0x1BF5;
	p2 =	por !p2, p0  }
0x20: {  	[sflag:s8] =	ssyncset.s32 @!p0 $0xFFFFF086;
	s6 =	sadd.s32 @!p0 s3, s7;
	s7 =	simm.s32 @!p0 $0x108  }
0x21: {  	s3 =	sadd.s32 s3, s9;
	s6 =	sadd.s32 @!p0 $0x88, s6;
	s7 =	simm.s32 @p2 $0x1082  }
0x22: {  	[simem:s7], [sflag:s8] =	dma.local @!p0 [hbm:s6], $0xF7A  }
0x23: {  	s9 =	sor.u32 $0xD0000000, s2;
	s6 =	simm.s32 $0x108;
	_ =	swait.ge @!p0 [sflag:s8], $0x0  }
0x24: {  	s3 =	sadd.s32 $0x88, s3;
	s6 =	simm.s32 @!p1 $0x1082;
	[sflag:s4] =	ssyncset.s32 $0xFFFFF086  }
0x25: {  	[simem:s6], [sflag:s4] =	dma.local [hbm:s3], $0xF7A  }
0x26: {  	[smem:$0x3F96] =	sst s1;
	(tag) =	ssettag s2;
	_ =	strace s9  }
0x27: {  	s1 =	sld [smem:$0x3FA6]  }
0x28: {  	s2 =	sld [smem:$0x3FA7]  }
0x29: {  	s4 =	sld [smem:$0x3FA9]  }
0x2a: {  	p0 =	seq.s32 s5, $0x0;
	s5 =	sld [smem:$0x3FAA]  }
0x2b: {  	s6 =	sld [smem:$0x3FAB]  }
0x2c: {  	s7 =	sld [smem:$0x3FAC]  }
0x2d: {  	s3 =	simm.s32 $0x108;
	s8 =	sld [smem:$0x3FAD]  }
0x2e: {  	s3 =	simm.s32 @!p0 $0x1082;
	s9 =	sld [smem:$0x3FAE]  }
0x2f: {  	lr =	sadd.s32 s0, s3;
	s0 =	sld [smem:$0x3FA5]  }
0x30: {  	s3 =	sld [smem:$0x3FA8]  }
0x31: {  	[smem:$0x3FB1] =	sst s10  }
0x32: {  	s10 =	sld [smem:$0x3FAF];
	_ =	sdelay $0x3  }
0x33: {  	p0 =	seq.s32 s10, $0x1;
	s10 =	sld [smem:$0x3FB1];
	_ =	sdelay $0x3  }
0x34: {  	[smem:$0x3FB1] =	sst s10  }
0x35: {  	s10 =	sld [smem:$0x3FB0];
	_ =	sdelay $0x3  }
0x36: {  	p1 =	seq.s32 s10, $0x1;
	s10 =	sld [smem:$0x3FB1];
	_ =	sdelay $0x3  }
0x37: {  	[smem:$0x3FB1] =	sst s10  }
0x38: {  	s10 =	sld [smem:$0x3FB2]  }
0x39: {  	_ = 	snop;
	(pc) =	sbr.ind lr, $3  }
0x3a: {  	_ = 	snop  }
0x3b: {  	_ = 	snop  }
0x3c: {  	p2 =	seq.s32 s10, $0x1;
	s10 =	sld [smem:$0x3FB1]  }
0x3d: {  	_ =	shalt  }
0x3e: {  	_ =	shalt  }
0x3f: {  	_ =	shalt  }
0x40: {  	_ =	shalt  }
0x41: {  	_ =	shalt  }
0x42: {  	_ =	shalt  }
0x43: {  	_ =	shalt  }
0x44: {  	_ =	shalt  }
0x45: {  	_ =	shalt  }
0x46: {  	_ =	shalt  }
0x47: {  	_ =	shalt  }
0x48: {  	_ =	shalt  }
0x49: {  	_ =	shalt  }
0x4a: {  	_ =	shalt  }
0x4b: {  	_ =	shalt  }
0x4c: {  	_ =	shalt  }
0x4d: {  	_ =	shalt  }
0x4e: {  	_ =	shalt  }
0x4f: {  	_ =	shalt  }
0x50: {  	_ =	shalt  }
0x51: {  	_ =	shalt  }
0x52: {  	_ =	shalt  }
0x53: {  	_ =	shalt  }
0x54: {  	_ =	shalt  }
0x55: {  	_ =	shalt  }
0x56: {  	_ =	shalt  }
0x57: {  	_ =	shalt  }
0x58: {  	_ =	shalt  }
0x59: {  	_ =	shalt  }
0x5a: {  	_ =	shalt  }
0x5b: {  	_ =	shalt  }
0x5c: {  	_ =	shalt  }
0x5d: {  	_ =	shalt  }
0x5e: {  	_ =	shalt  }
0x5f: {  	_ =	shalt  }
0x60: {  	_ =	shalt  }
0x61: {  	_ =	shalt  }
0x62: {  	_ =	shalt  }
0x63: {  	_ =	shalt  }
0x64: {  	_ =	shalt  }
0x65: {  	_ =	shalt  }
0x66: {  	_ =	shalt  }
0x67: {  	_ =	shalt  }
0x68: {  	_ =	shalt  }
0x69: {  	_ =	shalt  }
0x6a: {  	_ =	shalt  }
0x6b: {  	_ =	shalt  }
0x6c: {  	_ =	shalt  }
0x6d: {  	_ =	shalt  }
0x6e: {  	_ =	shalt  }
0x6f: {  	_ =	shalt  }
0x70: {  	_ =	shalt  }
0x71: {  	_ =	shalt  }
0x72: {  	_ =	shalt  }
0x73: {  	_ =	shalt  }
0x74: {  	_ =	shalt  }
0x75: {  	_ =	shalt  }
0x76: {  	_ =	shalt  }
0x77: {  	_ =	shalt  }
0x78: {  	_ =	shalt  }
0x79: {  	_ =	shalt  }
0x7a: {  	_ =	shalt  }
0x7b: {  	_ =	shalt  }
0x7c: {  	_ =	shalt  }
0x7d: {  	_ =	shalt  }
0x7e: {  	_ =	shalt  }
0x7f: {  	_ =	shalt  }
0x80: {  	_ =	shalt  }
0x81: {  	_ =	shalt  }
0x82: {  	_ =	shalt  }
0x83: {  	_ =	shalt  }
0x84: {  	_ =	shalt  }
0x85: {  	_ =	shalt  }
0x86: {  	_ =	shalt  }
0x87: {  	_ =	shalt  }
.Lfunc_end0:
.L_simem_size_0:
called_computation_lowered:
.L_overlay_start_0:
0x88: {  	s2 =	sld [smem:$0x3FD9]  }
0x89: {  	s3 =	sld [smem:$0x3FFE];
	_ =	sdelay $0x1  }
0x8a: {  	s1 =	srdreg.scid  }
0x8b: {  	s0 =	sand.u32 $0x1, s1  }
0x8c: {  	s17 =	sshll.u32 s0, $0xA;
	s2 =	sadd.s32 s3, s2  }
0x8d: {  	s2 =	sadd.s32 s2, s17  }
0x8e: {  	[smem:$0x3FBD] =	sst s2  }
0x8f: {  	_ = 	snop  }
0x90: {  	s2 =	sld [smem:$0x3FD0];
	(tm) =	ssettm $0x1  }
0x91: {  	s18 =	sld [smem:$0x3FFB];
	_ =	sdelay $0x3  }
0x92: {  	_ =	strace s18  }
0x93: {  	s3 =	sld [smem:$0x3FFC];
	_ =	sdelay $0x3  }
0x94: {  	_ =	strace s3  }
0x95: {  	s3 =	sld [smem:$0x3FFD];
	_ =	sdelay $0x3  }
0x96: {  	_ =	strace s3  }
0x97: {  	_ =	strace $0x8FFFFFFF  }
0x98: {  	s19 =	sld [smem:$0x3FDB];
	_ =	sdelay $0x1  }
0x99: {  	s4 =	simm.s32 $_scs_section_size  }
0x9a: {  	s5 =	simm.s32 $_size__tile_overlayer_lowered;
	s6 =	simm.s32 $_tile_overlayer_lowered  }
0x9b: {  	s22 =	simm.s32 $0x1BFF;
	s21 =	sshll.u32 s6, $0x1;
	s3 =	sadd.s32 s4, s19  }
0x9c: {  	s7 =	simm.s32 $0x0;
	s20 =	sshll.u32 s5, $0x1;
	s5 =	sadd.s32 s21, s3  }
0x9d: {  	[timem:s7], [sflag:s22] =	dma.local [hbm:s5], s20  }
0x9e: {  	_ =	swait.ge [sflag:s22], s20  }
0x9f: {  	s4 =	ssub.s32 $0x0, s20;
	[sflag:s22] =	ssyncset.done $0x0  }
0xa0: {  	[sflag:s22] =	ssyncadd.s32 s4;
	_ =	sdelay $0x1  }
0xa1: {  	s23 =	simm.s32 $0x1B8B  }
0xa2: {  	_ =	swait.ge [sflag:s23], $0x1  }
0xa3: {  	[sflag:s23] =	ssyncset.done $0x0  }
0xa4: {  	s25 =	simm.s32 $0x1B8E;
	s24 =	sld [smem:$0x3FFE];
	[sflag:s23] =	ssyncadd.s32 $0xFFFFFFFF  }
0xa5: {  	s26 =	simm.s32 $execute0_lowered;
	[smem:$0x3FD2] =	sst s25  }
0xa6: {  	s5 =	sshll.u32 s26, $0x1;
	_ =	strace $0x80000046;
	[dreg:$0x1] =	wrdreg $0xFFFFFFFF  }
0xa7: {  	s28 =	simm.s32 $_size_execute0_lowered;
	s3 =	sadd.s32 s3, s5;
	[dreg:$0x0] =	wrdreg $0x0  }
0xa8: {  	s5 =	sshll.u32 s28, $0x1;
	[dreg:$0x2] =	wrdreg s3  }
0xa9: {  	[dreg:$0x3] =	wrdreg s5  }
0xaa: {  	[dreg:$0x4] =	wrdreg $0xC0  }
0xab: {  	_ =	task [dreg:s7], $0x5FFFF  }
0xac: {  	[dreg:$0x1] =	wrdreg $0xFFFFFFFF  }
0xad: {  	[dreg:$0x0] =	wrdreg $0x60  }
0xae: {  	[dreg:$0x2] =	wrdreg s2  }
0xaf: {  	[dreg:$0x3] =	wrdreg s24  }
0xb0: {  	[dreg:$0x4] =	wrdreg $0x0  }
0xb1: {  	[dreg:$0x5] =	wrdreg $0x9  }
0xb2: {  	_ =	task.clear_ibuf [dreg:s7], $0x6FFFF;
	_ =	strace $0x90000046  }
0xb3: {  	s29 =	simm.s32 $0x9;
	_ =	strace $0x80000048  }
0xb4: {  	_ =	swait.ge [sflag:s29], $0x1  }
0xb5: {  	[sflag:s29] =	ssyncadd.s32 $0xFFFFFFFF  }
0xb6: {  	_ =	strace $0x90000048  }
0xb7: {  	_ =	sfence  }
0xb8: {  	s30 =	sld [smem:$0x0];
	_ =	sdelay $0x2  }
0xb9: {  	s31 =	sshll.u32 s1, $0xD;
	s1 =	sshrl.u32 s1, $0x2  }
0xba: {  	s3 =	sand.u32 $0x4000, s31;
	s1 =	sadd.s32 s1, s30  }
0xbb: {  	s0 =	sor.u32 s3, s0;
	s1 =	sshll.u32 s1, $0x11  }
0xbc: {  	s0 =	sor.u32 s1, s0  }
0xbd: {  	s0 =	sadd.s32 $0x8F2B, s0  }
0xbe: {  	[sflag:s0] =	ssyncadd.remote.s32 $0x1  }
0xbf: {  	_ =	sfence.sel $0xFFFF  }
0xc0: {  	[dreg:$0x0] =	wrdreg $0xFFFFFFFF;
	(pc) =	sbr.abs _section_cstart, $3  }
0xc1: {  	[dreg:$0x1] =	wrdreg $0xFFFFFFFF  }
0xc2: {  	_ =	task.clear_ibuf [dreg:s7], $0x2FFFF;
	_ =	strace $0x9FFFFFFF  }
0xc3: {  	(tm) =	ssettm $0x7FFFFFFF  }
tec
execute0_lowered:
.L_overlay_start_1:
0x0: {  	(tag) =	ssettag $0x1  }
0x1: {  	s6 =	rddreg [dreg:$0x0]  }
0x2: {  	s7 =	rddreg [dreg:$0x1];
	s0 =	srdreg.scid  }
0x3: {  	s2 =	rddreg [dreg:$0x2];
	s1 =	stileid.u32;
	s3 =	simm.s32 $0x0  }
0x4: {  	s13 =	simm.s32 $0x16400;
	s14 =	simm.s32 $0x80;
	s5 =	smul.u32 $0x13C00, s1  }
0x5: {  	s15 =	simm.s32 $0x1;
	s16 =	simm.s32 $0x0;
	s11 =	smul.u32 $0x2800, s1  }
0x6: {  	s8 =	sand.u32 $0x1, s0;
	s0 =	rddreg [dreg:$0x3];
	s28 =	smul.u32 $0x4F000, s1  }
0x7: {  	[smem:$0x7FF] =	sst s3;
	s31 =	sshll.u32 s1, $0x6;
	s4 =	smul.u32 $0x13C000, s8  }
0x8: {  	s9 =	smul.u32 $0x28000, s8;
	_ =	strace $0x80000047;
	s8 =	ssub.s32 $0x2, s8  }
0x9: {  	s29 =	sshrl.u32 s8, $0x1;
	s30 =	sshrl.u32 s28, $0x2;
	s10 =	sadd.s32 s5, s4  }
0xa: {  	s4 =	sadd.s32 $0x2A00, s7;
	s5 =	sadd.s32 $0x3200, s7;
	s9 =	sadd.s32 s11, s9  }
0xb: {  	s8 =	ssub.s32 s8, s29;
	s12 =	sadd.s32 s30, s2;
	s11 =	sor.u32 $0x1C02, s31  }
0xc: {  	s10 =	sshrl.u32 s10, $0x3;
	s9 =	sshrl.u32 s9, $0x3;
	s8 =	smax.u32 s8, $0x1  }
0xd: {  	s12 =	sshrl.u32 s12, $0x3;
	s7 =	sadd.s32 s10, s7;
	s6 =	sadd.s32 s6, s9  }
0xe: {  	s9 =	simm.s32 $0x13C00;
	s10 =	simm.s32 $0x2;
	s7 =	sadd.s32 $0x5A00, s7  }
.LBB2_1:
0xf: {  	[tilespmem:s9], [sflag:$0x2] =	stream.linear.gather [hbm4b:s6+s3], $0x2800, $0x38;
	[tilespmem:$0x1A400] =	vst v63  }
0x10: {  	_ =	swait.ge [sflag:s10], $0x2800  }
0x11: {  	[sflag:s10] =	ssyncset.done $0x0  }
0x12: {  	[sflag:s10] =	ssyncadd.s32 $0xFFFFD800  }
0x13: {  	[spmem:s12], [sflag:s11] =	dma.local [hbm:s5], $0x2780  }
0x14: {  	_ =	swait.ge [sflag:s10], $0x2780  }
0x15: {  	[sflag:s10] =	ssyncset.done $0x0  }
0x16: {  	[sflag:s10] =	ssyncadd.s32 $0xFFFFD880  }
0x17: {  	[tilespmem:s13], [sflag:$0x2] =	stream.linear.gather [hbm4b:s4+s3], $0x4000, $0x38;
	[tilespmem:$0x1A400] =	vst v63  }
0x18: {  	_ =	swait.ge [sflag:s10], $0x4000  }
0x19: {  	[sflag:s10] =	ssyncset.done $0x0  }
0x1a: {  	[sflag:s10] =	ssyncadd.s32 $0xFFFFC000  }
0x1b: {  	s17 =	simm.s32 $0x13C00;
	[bflag:$0x0] =	sbarrier.arrive $0xFFFF  }
0x1c: {  	[spmem:s2] =	stream.indirect.scatter.add.f32 [tilespmem:s13], [sflag:$0x1], $0x80, s17, s14, $0xb8;
	[tilespmem:$0x1A400] =	vst v63  }
0x1d: {  	s28 =	simm.s32 $0x13C80  }
0x1e: {  	[spmem:s2] =	stream.indirect.scatter.add.f32 [tilespmem:s13], [sflag:$0x1], $0x80, s28, s14, $0xb8;
	[tilespmem:$0x1A400] =	vst v63  }
0x1f: {  	s29 =	simm.s32 $0x13D00  }
0x20: {  	[spmem:s2] =	stream.indirect.scatter.add.f32 [tilespmem:s13], [sflag:$0x1], $0x80, s29, s14, $0xb8;
	[tilespmem:$0x1A400] =	vst v63  }
0x21: {  	s30 =	simm.s32 $0x13D80  }
0x22: {  	[spmem:s2] =	stream.indirect.scatter.add.f32 [tilespmem:s13], [sflag:$0x1], $0x80, s30, s14, $0xb8;
	[tilespmem:$0x1A400] =	vst v63  }
0x23: {  	s31 =	simm.s32 $0x13E00  }
0x24: {  	[spmem:s2] =	stream.indirect.scatter.add.f32 [tilespmem:s13], [sflag:$0x1], $0x80, s31, s14, $0xb8;
	[tilespmem:$0x1A400] =	vst v63  }
0x25: {  	_ =	swait.ge [sflag:s15], $0x4000  }
0x26: {  	[sflag:s15] =	ssyncset.done $0x0  }
0x27: {  	[sflag:s15] =	ssyncadd.s32 $0xFFFFC000  }
0x28: {  	_ =	swait.ge [sflag:s15], $0x4000  }
0x29: {  	[sflag:s15] =	ssyncset.done $0x0  }
0x2a: {  	[sflag:s15] =	ssyncadd.s32 $0xFFFFC000  }
0x2b: {  	_ =	swait.ge [sflag:s15], $0x4000  }
0x2c: {  	[sflag:s15] =	ssyncset.done $0x0  }
0x2d: {  	[sflag:s15] =	ssyncadd.s32 $0xFFFFC000  }
0x2e: {  	_ =	swait.ge [sflag:s15], $0x4000  }
0x2f: {  	[sflag:s15] =	ssyncset.done $0x0  }
0x30: {  	[sflag:s15] =	ssyncadd.s32 $0xFFFFC000  }
0x31: {  	_ =	swait.ge [sflag:s15], $0x4000  }
0x32: {  	s18 =	simm.s32 $0x1400;
	s17 =	simm.s32 $0x280;
	[sflag:s15] =	ssyncset.done $0x0  }
.LBB2_2:
0x33: {  	s19 =	sadd.s32 $0x13C00, s17  }
0x34: {  	[sflag:s15] =	ssyncadd.s32 $0xFFFFC000;
	s20 =	smov.u32 s18;
	s21 =	sadd.s32 $0xA00, s18  }
0x35: {  	[spmem:s2] =	stream.indirect.scatter.add.f32 [tilespmem:s13], [sflag:$0x1], $0x80, s19, s14, $0xb8;
	[tilespmem:$0x1A400] =	vst v63  }
0x36: {  	p0 =	sne.s32 s18, $0x9600;
	s18 =	sadd.s32 $0x13C80, s17  }
0x37: {  	[spmem:s2] =	stream.indirect.scatter.add.f32 [tilespmem:s13], [sflag:$0x1], $0x80, s18, s14, $0xb8;
	[tilespmem:$0x1A400] =	vst v63  }
0x38: {  	s18 =	sadd.s32 $0x13D00, s17  }
0x39: {  	[spmem:s2] =	stream.indirect.scatter.add.f32 [tilespmem:s13], [sflag:$0x1], $0x80, s18, s14, $0xb8;
	[tilespmem:$0x1A400] =	vst v63  }
0x3a: {  	s18 =	sadd.s32 $0x13D80, s17  }
0x3b: {  	[spmem:s2] =	stream.indirect.scatter.add.f32 [tilespmem:s13], [sflag:$0x1], $0x80, s18, s14, $0xb8;
	[tilespmem:$0x1A400] =	vst v63  }
0x3c: {  	s17 =	sadd.s32 $0x13E00, s17  }
0x3d: {  	[spmem:s2] =	stream.indirect.scatter.add.f32 [tilespmem:s13], [sflag:$0x1], $0x80, s17, s14, $0xb8;
	[tilespmem:$0x1A400] =	vst v63  }
0x3e: {  	_ =	swait.ge [sflag:s15], $0x4000  }
0x3f: {  	[sflag:s15] =	ssyncset.done $0x0  }
0x40: {  	[sflag:s15] =	ssyncadd.s32 $0xFFFFC000  }
0x41: {  	_ =	swait.ge [sflag:s15], $0x4000  }
0x42: {  	[sflag:s15] =	ssyncset.done $0x0  }
0x43: {  	[sflag:s15] =	ssyncadd.s32 $0xFFFFC000  }
0x44: {  	_ =	swait.ge [sflag:s15], $0x4000  }
0x45: {  	[sflag:s15] =	ssyncset.done $0x0  }
0x46: {  	[sflag:s15] =	ssyncadd.s32 $0xFFFFC000  }
.Ltmp0:
0x47: {  	_ =	swait.ge [sflag:s15], $0x4000;
	(pc) =	sbr.rel @p0 .LBB2_2-.Ltmp0, $4  }
0x48: {  	[sflag:s15] =	ssyncset.done $0x0  }
0x49: {  	[sflag:s15] =	ssyncadd.s32 $0xFFFFC000  }
0x4a: {  	_ =	swait.ge [sflag:s15], $0x4000  }
0x4b: {  	s18 =	smov.u32 s21;
	s17 =	sshra.s32 s20, $0x2;
	[sflag:s15] =	ssyncset.done $0x0  }
0x4c: {  	s18 =	sadd.s32 $0x13C00, s17;
	[sflag:s15] =	ssyncadd.s32 $0xFFFFC000  }
0x4d: {  	[spmem:s2] =	stream.indirect.scatter.add.f32 [tilespmem:s13], [sflag:$0x1], $0x80, s18, s14, $0xb8;
	[tilespmem:$0x1A400] =	vst v63  }
0x4e: {  	s28 =	sadd.s32 $0x13C80, s17  }
0x4f: {  	[spmem:s2] =	stream.indirect.scatter.add.f32 [tilespmem:s13], [sflag:$0x1], $0x80, s28, s14, $0xb8;
	[tilespmem:$0x1A400] =	vst v63  }
0x50: {  	s29 =	sadd.s32 $0x13D00, s17  }
0x51: {  	[spmem:s2] =	stream.indirect.scatter.add.f32 [tilespmem:s13], [sflag:$0x1], $0x80, s29, s14, $0xb8;
	[tilespmem:$0x1A400] =	vst v63  }
0x52: {  	s30 =	sadd.s32 $0x13D80, s17  }
0x53: {  	[spmem:s2] =	stream.indirect.scatter.add.f32 [tilespmem:s13], [sflag:$0x1], $0x80, s30, s14, $0xb8;
	[tilespmem:$0x1A400] =	vst v63  }
0x54: {  	s31 =	sadd.s32 $0x13E00, s17  }
0x55: {  	[spmem:s2] =	stream.indirect.scatter.add.f32 [tilespmem:s13], [sflag:$0x1], $0x80, s31, s14, $0xb8;
	[tilespmem:$0x1A400] =	vst v63  }
0x56: {  	_ =	swait.ge [sflag:s15], $0x4000  }
0x57: {  	[sflag:s15] =	ssyncset.done $0x0  }
0x58: {  	[sflag:s15] =	ssyncadd.s32 $0xFFFFC000  }
0x59: {  	_ =	swait.ge [sflag:s15], $0x4000  }
0x5a: {  	[sflag:s15] =	ssyncset.done $0x0  }
0x5b: {  	[sflag:s15] =	ssyncadd.s32 $0xFFFFC000  }
0x5c: {  	_ =	swait.ge [sflag:s15], $0x4000  }
0x5d: {  	[sflag:s15] =	ssyncset.done $0x0  }
0x5e: {  	[sflag:s15] =	ssyncadd.s32 $0xFFFFC000  }
0x5f: {  	_ =	swait.ge [sflag:s15], $0x4000  }
0x60: {  	[sflag:s15] =	ssyncset.done $0x0  }
0x61: {  	[sflag:s15] =	ssyncadd.s32 $0xFFFFC000  }
0x62: {  	_ =	swait.ge [sflag:s15], $0x4000  }
0x63: {  	s16 =	sadd.s32 $0x1, s16;
	[sflag:s15] =	ssyncset.done $0x0  }
0x64: {  	p0 =	sne.s32 s16, s8;
	[sflag:s15] =	ssyncadd.s32 $0xFFFFC000  }
.Ltmp1:
0x65: {  	[bflag:$0x0] =	sbarrier.arrive $0xFFFF;
	(pc) =	sbr.rel @p0 .LBB2_1-.Ltmp1, $4  }
0x66: {  	[hbm:s7], [sflag:s11] =	dma.local [spmem:s12], $0x2780  }
0x67: {  	_ =	swait.ge [sflag:s10], $0x2780  }
0x68: {  	[sflag:s10] =	ssyncset.done $0x0  }
0x69: {  	[sflag:s10] =	ssyncadd.s32 $0xFFFFD880  }
0x6a: {  	_ =	sfence.sel $0x180000  }
0x6b: {  	[bflag:$0x0] =	sbarrier.arrive $0xFFFF  }
0x6c: {  	p0 =	sne.s32 s1, $0x0;
	_ =	strace $0x90000047  }
0x6d: {  	s0 =	sadd.s32 @!p0 $0x100000, s0;
	[bflag:$0x2] =	sbarrier.arrive $0xFFFF  }
0x6e: {  	[sflag:s0] =	ssyncadd.tile.s32 @!p0 $0x1;
	_ =	shalt  }
.Lfunc_end2:
_tile_overlayer_lowered:
.L_overlay_start_2:
0x6f: {  	(tag) =	ssettag $0x2  }
0x70: {  	s0 =	rddreg [dreg:$0x0];
	s2 =	stileid.u32  }
0x71: {  	s1 =	rddreg [dreg:$0x1];
	p0 =	sne.s32 s2, $0x0  }
0x72: {  	s3 =	rddreg [dreg:$0x2];
	[bflag:$0x3] =	sbarrier.arrive $0xFFFF;
	s2 =	simm.s32 @!p0 $0x1C02  }
0x73: {  	[timem:s3], [sflag:s2] =	dma.local @!p0 [hbm:s0], s1  }
0x74: {  	s0 =	simm.s32 @!p0 $0x2  }
0x75: {  	_ =	swait.ge @!p0 [sflag:s0], s1  }
0x76: {  	s1 =	ssub.s32 @!p0 $0x0, s1;
	[sflag:s0] =	ssyncset.done @!p0 $0x0  }
0x77: {  	[sflag:s0] =	ssyncadd.s32 @!p0 s1  }
0x78: {  	[bflag:$0x3] =	sbarrier.arrive $0xFFFF  }
0x79: {  	_ =	shalt  }

// kernel: kernel.13.cloned.1.call-start
scs
__scs_entry_jumppad:
0x0: {  	(pc) =	sbr.rel $0x88, $3  }
0x1: {  	(tag) =	ssettag $0x0;
	lr =	simm.s32 $0x1  }
0x2: {  	[smem:$0x3F96] =	sst lr;
	_ =	strace $0xD0000000  }
0x3: {  	_ = 	snop  }
0x4: {  	_ = 	snop  }
0x5: {  	_ = 	snop  }
0x6: {  	_ = 	snop  }
0x7: {  	_ = 	snop  }
__scs_overlays_trampoline_lowered:
0x8: {  	[smem:$0x3FA5] =	sst s0  }
0x9: {  	[smem:$0x3FA6] =	sst s1  }
0xa: {  	[smem:$0x3FA7] =	sst s2  }
0xb: {  	[smem:$0x3FA8] =	sst s3  }
0xc: {  	[smem:$0x3FA9] =	sst s4  }
0xd: {  	[smem:$0x3FAA] =	sst s5  }
0xe: {  	[smem:$0x3FAB] =	sst s6  }
0xf: {  	[smem:$0x3FAC] =	sst s7  }
0x10: {  	[smem:$0x3FAD] =	sst s8  }
0x11: {  	[smem:$0x3FAE] =	sst s9;
	s0 =	simm.s32 @!p0 $0x0  }
0x12: {  	s1 =	sld [smem:$0x3F94];
	s0 =	simm.s32 @p0 $0x1  }
0x13: {  	[smem:$0x3FAF] =	sst s0;
	s0 =	simm.s32 @!p1 $0x0  }
0x14: {  	s2 =	sld [smem:$0x3F93];
	s0 =	simm.s32 @p1 $0x1  }
0x15: {  	[smem:$0x3FB0] =	sst s0;
	s0 =	simm.s32 @!p2 $0x0  }
0x16: {  	s3 =	sld [smem:$0x3FDB];
	s0 =	simm.s32 @p2 $0x1  }
0x17: {  	s4 =	simm.s32 $0x1BF5;
	[smem:$0x3FB2] =	sst s0  }
0x18: {  	s0 =	sld [smem:$0x3F95];
	_ =	swait.ge [sflag:s4], $0x0  }
0x19: {  	s7 =	sld [smem:$0x3F96]  }
0x1a: {  	s8 =	sadd.s32 $0xFFFFE003, lr  }
0x1b: {  	s9 =	sadd.s32 $0xFFFFFEF7, lr;
	s5 =	simm.s32 $0xFFFFFFFF;
	p2 =	slt.u32 s8, $0xFFFFF086  }
0x1c: {  	p1 =	slt.u32 s9, $0xF7A;
	s5 =	simm.s32 @!p2 $0x0  }
0x1d: {  	s5 =	simm.s32 @p1 $0x1;
	p0 =	seq.s32 s7, s2  }
0x1e: {  	s7 =	smul.u32 @!p0 $0xF7A, s2;
	p2 =	seq.s32 @!p0 s5, $0x0  }
0x1f: {  	s9 =	smul.u32 $0xF7A, s1;
	s8 =	simm.s32 @!p0 $0x1BF5;
	p2 =	por !p2, p0  }
0x20: {  	[sflag:s8] =	ssyncset.s32 @!p0 $0xFFFFF086;
	s6 =	sadd.s32 @!p0 s3, s7;
	s7 =	simm.s32 @!p0 $0x108  }
0x21: {  	s3 =	sadd.s32 s3, s9;
	s6 =	sadd.s32 @!p0 $0x88, s6;
	s7 =	simm.s32 @p2 $0x1082  }
0x22: {  	[simem:s7], [sflag:s8] =	dma.local @!p0 [hbm:s6], $0xF7A  }
0x23: {  	s9 =	sor.u32 $0xD0000000, s2;
	s6 =	simm.s32 $0x108;
	_ =	swait.ge @!p0 [sflag:s8], $0x0  }
0x24: {  	s3 =	sadd.s32 $0x88, s3;
	s6 =	simm.s32 @!p1 $0x1082;
	[sflag:s4] =	ssyncset.s32 $0xFFFFF086  }
0x25: {  	[simem:s6], [sflag:s4] =	dma.local [hbm:s3], $0xF7A  }
0x26: {  	[smem:$0x3F96] =	sst s1;
	(tag) =	ssettag s2;
	_ =	strace s9  }
0x27: {  	s1 =	sld [smem:$0x3FA6]  }
0x28: {  	s2 =	sld [smem:$0x3FA7]  }
0x29: {  	s4 =	sld [smem:$0x3FA9]  }
0x2a: {  	p0 =	seq.s32 s5, $0x0;
	s5 =	sld [smem:$0x3FAA]  }
0x2b: {  	s6 =	sld [smem:$0x3FAB]  }
0x2c: {  	s7 =	sld [smem:$0x3FAC]  }
0x2d: {  	s3 =	simm.s32 $0x108;
	s8 =	sld [smem:$0x3FAD]  }
0x2e: {  	s3 =	simm.s32 @!p0 $0x1082;
	s9 =	sld [smem:$0x3FAE]  }
0x2f: {  	lr =	sadd.s32 s0, s3;
	s0 =	sld [smem:$0x3FA5]  }
0x30: {  	s3 =	sld [smem:$0x3FA8]  }
0x31: {  	[smem:$0x3FB1] =	sst s10  }
0x32: {  	s10 =	sld [smem:$0x3FAF];
	_ =	sdelay $0x3  }
0x33: {  	p0 =	seq.s32 s10, $0x1;
	s10 =	sld [smem:$0x3FB1];
	_ =	sdelay $0x3  }
0x34: {  	[smem:$0x3FB1] =	sst s10  }
0x35: {  	s10 =	sld [smem:$0x3FB0];
	_ =	sdelay $0x3  }
0x36: {  	p1 =	seq.s32 s10, $0x1;
	s10 =	sld [smem:$0x3FB1];
	_ =	sdelay $0x3  }
0x37: {  	[smem:$0x3FB1] =	sst s10  }
0x38: {  	s10 =	sld [smem:$0x3FB2]  }
0x39: {  	_ = 	snop;
	(pc) =	sbr.ind lr, $3  }
0x3a: {  	_ = 	snop  }
0x3b: {  	_ = 	snop  }
0x3c: {  	p2 =	seq.s32 s10, $0x1;
	s10 =	sld [smem:$0x3FB1]  }
0x3d: {  	_ =	shalt  }
0x3e: {  	_ =	shalt  }
0x3f: {  	_ =	shalt  }
0x40: {  	_ =	shalt  }
0x41: {  	_ =	shalt  }
0x42: {  	_ =	shalt  }
0x43: {  	_ =	shalt  }
0x44: {  	_ =	shalt  }
0x45: {  	_ =	shalt  }
0x46: {  	_ =	shalt  }
0x47: {  	_ =	shalt  }
0x48: {  	_ =	shalt  }
0x49: {  	_ =	shalt  }
0x4a: {  	_ =	shalt  }
0x4b: {  	_ =	shalt  }
0x4c: {  	_ =	shalt  }
0x4d: {  	_ =	shalt  }
0x4e: {  	_ =	shalt  }
0x4f: {  	_ =	shalt  }
0x50: {  	_ =	shalt  }
0x51: {  	_ =	shalt  }
0x52: {  	_ =	shalt  }
0x53: {  	_ =	shalt  }
0x54: {  	_ =	shalt  }
0x55: {  	_ =	shalt  }
0x56: {  	_ =	shalt  }
0x57: {  	_ =	shalt  }
0x58: {  	_ =	shalt  }
0x59: {  	_ =	shalt  }
0x5a: {  	_ =	shalt  }
0x5b: {  	_ =	shalt  }
0x5c: {  	_ =	shalt  }
0x5d: {  	_ =	shalt  }
0x5e: {  	_ =	shalt  }
0x5f: {  	_ =	shalt  }
0x60: {  	_ =	shalt  }
0x61: {  	_ =	shalt  }
0x62: {  	_ =	shalt  }
0x63: {  	_ =	shalt  }
0x64: {  	_ =	shalt  }
0x65: {  	_ =	shalt  }
0x66: {  	_ =	shalt  }
0x67: {  	_ =	shalt  }
0x68: {  	_ =	shalt  }
0x69: {  	_ =	shalt  }
0x6a: {  	_ =	shalt  }
0x6b: {  	_ =	shalt  }
0x6c: {  	_ =	shalt  }
0x6d: {  	_ =	shalt  }
0x6e: {  	_ =	shalt  }
0x6f: {  	_ =	shalt  }
0x70: {  	_ =	shalt  }
0x71: {  	_ =	shalt  }
0x72: {  	_ =	shalt  }
0x73: {  	_ =	shalt  }
0x74: {  	_ =	shalt  }
0x75: {  	_ =	shalt  }
0x76: {  	_ =	shalt  }
0x77: {  	_ =	shalt  }
0x78: {  	_ =	shalt  }
0x79: {  	_ =	shalt  }
0x7a: {  	_ =	shalt  }
0x7b: {  	_ =	shalt  }
0x7c: {  	_ =	shalt  }
0x7d: {  	_ =	shalt  }
0x7e: {  	_ =	shalt  }
0x7f: {  	_ =	shalt  }
0x80: {  	_ =	shalt  }
0x81: {  	_ =	shalt  }
0x82: {  	_ =	shalt  }
0x83: {  	_ =	shalt  }
0x84: {  	_ =	shalt  }
0x85: {  	_ =	shalt  }
0x86: {  	_ =	shalt  }
0x87: {  	_ =	shalt  }
.Lfunc_end0:
.L_simem_size_0:
called_computation.1_lowered:
.L_overlay_start_0:
0x88: {  	s2 =	sld [smem:$0x3FD9]  }
0x89: {  	s3 =	sld [smem:$0x3FFE];
	_ =	sdelay $0x1  }
0x8a: {  	s1 =	srdreg.scid  }
0x8b: {  	s0 =	sand.u32 $0x1, s1  }
0x8c: {  	s17 =	sshll.u32 s0, $0xA;
	s2 =	sadd.s32 s3, s2  }
0x8d: {  	s2 =	sadd.s32 s2, s17  }
0x8e: {  	[smem:$0x3FBD] =	sst s2  }
0x8f: {  	_ = 	snop  }
0x90: {  	s2 =	sld [smem:$0x3FD0];
	(tm) =	ssettm $0x1  }
0x91: {  	s18 =	sld [smem:$0x3FFB];
	_ =	sdelay $0x3  }
0x92: {  	_ =	strace s18  }
0x93: {  	s3 =	sld [smem:$0x3FFC];
	_ =	sdelay $0x3  }
0x94: {  	_ =	strace s3  }
0x95: {  	s3 =	sld [smem:$0x3FFD];
	_ =	sdelay $0x3  }
0x96: {  	_ =	strace s3  }
0x97: {  	_ =	strace $0x8FFFFFFF  }
0x98: {  	s19 =	sld [smem:$0x3FDB];
	_ =	sdelay $0x1  }
0x99: {  	s4 =	simm.s32 $_scs_section_size  }
0x9a: {  	s5 =	simm.s32 $_size__tile_overlayer_lowered;
	s6 =	simm.s32 $_tile_overlayer_lowered  }
0x9b: {  	s22 =	simm.s32 $0x1BFF;
	s21 =	sshll.u32 s6, $0x1;
	s3 =	sadd.s32 s4, s19  }
0x9c: {  	s7 =	simm.s32 $0x0;
	s20 =	sshll.u32 s5, $0x1;
	s5 =	sadd.s32 s21, s3  }
0x9d: {  	[timem:s7], [sflag:s22] =	dma.local [hbm:s5], s20  }
0x9e: {  	_ =	swait.ge [sflag:s22], s20  }
0x9f: {  	s4 =	ssub.s32 $0x0, s20;
	[sflag:s22] =	ssyncset.done $0x0  }
0xa0: {  	[sflag:s22] =	ssyncadd.s32 s4;
	_ =	sdelay $0x1  }
0xa1: {  	s23 =	simm.s32 $0x1B8B  }
0xa2: {  	_ =	swait.ge [sflag:s23], $0x1  }
0xa3: {  	[sflag:s23] =	ssyncset.done $0x0  }
0xa4: {  	s25 =	simm.s32 $0x1B8E;
	s24 =	sld [smem:$0x3FFE];
	[sflag:s23] =	ssyncadd.s32 $0xFFFFFFFF  }
0xa5: {  	s26 =	simm.s32 $execute0_lowered;
	[smem:$0x3FD2] =	sst s25  }
0xa6: {  	s5 =	sshll.u32 s26, $0x1;
	_ =	strace $0x80000049;
	[dreg:$0x1] =	wrdreg $0xFFFFFFFF  }
0xa7: {  	s28 =	simm.s32 $_size_execute0_lowered;
	s3 =	sadd.s32 s3, s5;
	[dreg:$0x0] =	wrdreg $0x0  }
0xa8: {  	s5 =	sshll.u32 s28, $0x1;
	[dreg:$0x2] =	wrdreg s3  }
0xa9: {  	[dreg:$0x3] =	wrdreg s5  }
0xaa: {  	[dreg:$0x4] =	wrdreg $0xC0  }
0xab: {  	_ =	task [dreg:s7], $0x5FFFF  }
0xac: {  	[dreg:$0x1] =	wrdreg $0xFFFFFFFF  }
0xad: {  	[dreg:$0x0] =	wrdreg $0x60  }
0xae: {  	[dreg:$0x2] =	wrdreg s2  }
0xaf: {  	[dreg:$0x3] =	wrdreg s24  }
0xb0: {  	[dreg:$0x4] =	wrdreg $0x0  }
0xb1: {  	[dreg:$0x5] =	wrdreg $0x9  }
0xb2: {  	_ =	task.clear_ibuf [dreg:s7], $0x6FFFF;
	_ =	strace $0x90000049  }
0xb3: {  	s29 =	simm.s32 $0x9;
	_ =	strace $0x8000004B  }
0xb4: {  	_ =	swait.ge [sflag:s29], $0x1  }
0xb5: {  	[sflag:s29] =	ssyncadd.s32 $0xFFFFFFFF  }
0xb6: {  	_ =	strace $0x9000004B  }
0xb7: {  	_ =	sfence  }
0xb8: {  	s30 =	sld [smem:$0x0];
	_ =	sdelay $0x2  }
0xb9: {  	s31 =	sshll.u32 s1, $0xD;
	s1 =	sshrl.u32 s1, $0x2  }
0xba: {  	s3 =	sand.u32 $0x4000, s31;
	s1 =	sadd.s32 s1, s30  }
0xbb: {  	s0 =	sor.u32 s3, s0;
	s1 =	sshll.u32 s1, $0x11  }
0xbc: {  	s0 =	sor.u32 s1, s0  }
0xbd: {  	s0 =	sadd.s32 $0x8F2B, s0  }
0xbe: {  	[sflag:s0] =	ssyncadd.remote.s32 $0x1  }
0xbf: {  	_ =	sfence.sel $0xFFFF  }
0xc0: {  	[dreg:$0x0] =	wrdreg $0xFFFFFFFF;
	(pc) =	sbr.abs _section_cstart, $3  }
0xc1: {  	[dreg:$0x1] =	wrdreg $0xFFFFFFFF  }
0xc2: {  	_ =	task.clear_ibuf [dreg:s7], $0x2FFFF;
	_ =	strace $0x9FFFFFFF  }
0xc3: {  	(tm) =	ssettm $0x7FFFFFFF  }
tec
execute0_lowered:
.L_overlay_start_1:
0x0: {  	(tag) =	ssettag $0x1  }
0x1: {  	s1 =	rddreg [dreg:$0x0]  }
0x2: {  	s0 =	srdreg.scid;
	s2 =	rddreg [dreg:$0x1]  }
0x3: {  	s10 =	stileid.u32;
	s3 =	rddreg [dreg:$0x2];
	s4 =	simm.s32 $0x0  }
0x4: {  	s14 =	simm.s32 $0x5;
	s15 =	simm.s32 $0x13C00;
	s16 =	simm.s32 $0x14800  }
0x5: {  	s17 =	simm.s32 $0x80;
	s18 =	simm.s32 $0x15400;
	s20 =	simm.s32 $0x19400  }
0x6: {  	s11 =	simm.s32 $0x14400;
	s12 =	simm.s32 $0x14480;
	s6 =	smul.u32 $0x5400, s10  }
0x7: {  	s13 =	simm.s32 $0x15080;
	s19 =	simm.s32 $0x14500;
	s7 =	smul.u32 $0x13C00, s10  }
0x8: {  	s0 =	sand.u32 $0x1, s0;
	[smem:$0x7FF] =	sst s4;
	s9 =	smul.u32 $0x4F000, s10  }
0x9: {  	s8 =	sadd.s32 $0x3200, s2;
	s25 =	sshll.u32 s10, $0x6;
	s5 =	smul.u32 $0x54000, s0  }
0xa: {  	s10 =	simm.s32 $0x14F80;
	s21 =	smul.u32 $0x13C000, s0;
	_ =	strace $0x8000004A  }
0xb: {  	[dreg:$0x4] =	wrdreg s8;
	s22 =	ssub.s32 $0x2, s0;
	p0 =	seq.s32 s0, $0x0  }
0xc: {  	s29 =	sor.u32 $0x1C05, s25;
	s25 =	simm.s32 $0x4;
	s23 =	sshrl.u32 s22, $0x1  }
0xd: {  	s24 =	sshrl.u32 s9, $0x2;
	s9 =	simm.s32 $0x14F00;
	[dreg:$0x5] =	wrdreg s29  }
0xe: {  	s5 =	sadd.s32 s6, s5;
	s6 =	sadd.s32 s7, s21;
	s8 =	ssub.s32 s22, s23  }
0xf: {  	s7 =	simm.s32 $0x1;
	s0 =	sadd.s32 s24, s3;
	s21 =	simm.s32 $0x2  }
0x10: {  	s23 =	simm.s32 $0x3;
	s22 =	simm.s32 $0x14580;
	s24 =	simm.s32 $0x15100  }
0x11: {  	s5 =	sshrl.u32 s5, $0x3;
	s6 =	sshrl.u32 s6, $0x3;
	s7 =	simm.s32 @!p0 $0x7  }
0x12: {  	s26 =	smax.u32 s8, $0x1;
	s30 =	sshrl.u32 s0, $0x3;
	s0 =	simm.s32 $0x14300  }
0x13: {  	s5 =	sadd.s32 s5, s2;
	s2 =	sadd.s32 s6, s2;
	[dreg:$0x7] =	wrdreg s26  }
.Ltmp0:
0x14: {  	[dreg:$0xa] =	wrdreg s30;
	s2 =	sadd.s32 $0x7EA00, s2;
	(pc) =	sbr.rel .LBB2_1-.Ltmp0, $4  }
0x15: {  	s8 =	simm.s32 $0x15000;
	s28 =	sadd.s32 $0x69A00, s5;
	[dreg:$0x6] =	wrdreg s2  }
0x16: {  	s6 =	simm.s32 $0x1;
	s31 =	sadd.s32 $0x54A00, s5;
	[dreg:$0x8] =	wrdreg s28  }
0x17: {  	s26 =	simm.s32 $0x15180;
	[dreg:$0x9] =	wrdreg s31;
	s28 =	simm.s32 $0x0  }
0x18: {  	s5 =	simm.s32 $0x14380;
	s2 =	simm.s32 $0x14E80;
	[dreg:$0xb] =	wrdreg s28  }
.LBB2_5:
0x19: {  	[bflag:$0x0] =	sbarrier.arrive $0xFFFF  }
0x1a: {  	s29 =	rddreg [dreg:$0x5]  }
0x1b: {  	s28 =	rddreg [dreg:$0x6]  }
0x1c: {  	s30 =	rddreg [dreg:$0xa]  }
0x1d: {  	[hbm:s28], [sflag:s29] =	dma.local [spmem:s30], $0x2780  }
0x1e: {  	_ =	swait.ge [sflag:s14], $0x2780  }
0x1f: {  	s31 =	rddreg [dreg:$0xb]  }
0x20: {  	s28 =	rddreg [dreg:$0x7];
	s31 =	sadd.s32 $0x1, s31  }
0x21: {  	p0 =	sne.s32 s31, s28  }
.Ltmp1:
0x22: {  	_ = 	snop;
	(pc) =	sbr.rel @!p0 .LBB2_6-.Ltmp1, $3  }
0x23: {  	_ =	sdelay $0x1  }
0x24: {  	[sflag:s14] =	ssyncset.done $0x0  }
0x25: {  	[sflag:s14] =	ssyncadd.s32 $0xFFFFD880;
	[dreg:$0xb] =	wrdreg s31  }
.LBB2_1:
0x26: {  	s28 =	rddreg [dreg:$0x4]  }
0x27: {  	[spmem:s30], [sflag:s29] =	dma.local [hbm:s28], $0x2780  }
0x28: {  	_ =	swait.ge [sflag:s14], $0x2780  }
.Ltmp2:
0x29: {  	[sflag:s14] =	ssyncset.done $0x0;
	(pc) =	sbr.rel .LBB2_2-.Ltmp2, $4  }
0x2a: {  	[sflag:s14] =	ssyncadd.s32 $0xFFFFD880  }
0x2b: {  	[bflag:$0x0] =	sbarrier.arrive $0xFFFF  }
0x2c: {  	s28 =	rddreg [dreg:$0x9]  }
0x2d: {  	s30 =	simm.s32 $0x0;
	s29 =	rddreg [dreg:$0x8]  }
.LBB2_4:
0x2e: {  	s30 =	sadd.s32 $0x1, s30  }
0x2f: {  	p0 =	sne.s32 s30, $0x7  }
.Ltmp3:
0x30: {  	_ = 	snop;
	(pc) =	sbr.rel @!p0 .LBB2_5-.Ltmp3, $2  }
0x31: {  	_ =	sdelay $0x2  }
0x32: {  	s29 =	sadd.s32 $0x180, s29;
	s28 =	sadd.s32 $0x180, s28  }
.LBB2_2:
0x33: {  	p0 =	sge.u32 s30, s7  }
.Ltmp4:
0x34: {  	_ = 	snop;
	(pc) =	sbr.rel @p0 .LBB2_4-.Ltmp4, $1  }
0x35: {  	_ =	sdelay $0x3  }
0x36: {  	[tilespmem:s15], [sflag:$0x5] =	stream.linear.gather [hbm4b:s28+s4], $0xA00, $0x38;
	[tilespmem:$0x1D400] =	vst v63  }
0x37: {  	_ =	swait.ge [sflag:s14], $0xA00  }
0x38: {  	[sflag:s14] =	ssyncset.done $0x0  }
0x39: {  	[sflag:s14] =	ssyncadd.s32 $0xFFFFF600  }
0x3a: {  	[tilespmem:s16], [sflag:$0x5] =	stream.linear.gather [hbm4b:s29+s4], $0xA00, $0x38;
	[tilespmem:$0x1D400] =	vst v63  }
0x3b: {  	_ =	swait.ge [sflag:s14], $0xA00  }
0x3c: {  	[sflag:s14] =	ssyncset.done $0x0  }
0x3d: {  	[sflag:s14] =	ssyncadd.s32 $0xFFFFF600  }
0x3e: {  	[tilespmem:s18], [sflag:$0x1] =	stream.indirect.gather [hbm4b:s1+s17], $0x80, s15, s17, $0xb8;
	[tilespmem:$0x1D400] =	vst v63  }
0x3f: {  	s31 =	simm.s32 $0x13C80  }
0x40: {  	[tilespmem:s20], [sflag:$0x2] =	stream.indirect.gather [hbm4b:s1+s17], $0x80, s31, s17, $0xb8;
	[tilespmem:$0x1D400] =	vst v63  }
0x41: {  	_ =	swait.ge [sflag:s6], $0x4000  }
0x42: {  	[sflag:s6] =	ssyncset.done $0x0  }
0x43: {  	[sflag:s6] =	ssyncadd.s32 $0xFFFFC000  }
0x44: {  	[spmem:s3] =	stream.indirect.scatter.add.f32 [tilespmem:s18], [sflag:$0x3], $0x80, s16, s17, $0xb8;
	[tilespmem:$0x1D400] =	vst v63  }
0x45: {  	_ =	swait.ge [sflag:s21], $0x4000  }
0x46: {  	[sflag:s21] =	ssyncset.done $0x0  }
0x47: {  	s31 =	simm.s32 $0x14880;
	[sflag:s21] =	ssyncadd.s32 $0xFFFFC000  }
0x48: {  	[spmem:s3] =	stream.indirect.scatter.add.f32 [tilespmem:s20], [sflag:$0x4], $0x80, s31, s17, $0xb8;
	[tilespmem:$0x1D400] =	vst v63  }
0x49: {  	_ =	swait.ge [sflag:s23], $0x4000  }
0x4a: {  	[sflag:s23] =	ssyncset.done $0x0  }
0x4b: {  	s31 =	simm.s32 $0x13D00;
	[sflag:s23] =	ssyncadd.s32 $0xFFFFC000  }
0x4c: {  	[tilespmem:s18], [sflag:$0x1] =	stream.indirect.gather [hbm4b:s1+s17], $0x80, s31, s17, $0xb8;
	[tilespmem:$0x1D400] =	vst v63  }
0x4d: {  	_ =	swait.ge [sflag:s25], $0x4000  }
0x4e: {  	[sflag:s25] =	ssyncset.done $0x0  }
0x4f: {  	s31 =	simm.s32 $0x13D80;
	[sflag:s25] =	ssyncadd.s32 $0xFFFFC000  }
0x50: {  	[tilespmem:s20], [sflag:$0x2] =	stream.indirect.gather [hbm4b:s1+s17], $0x80, s31, s17, $0xb8;
	[tilespmem:$0x1D400] =	vst v63  }
0x51: {  	_ =	swait.ge [sflag:s6], $0x4000  }
0x52: {  	[sflag:s6] =	ssyncset.done $0x0  }
0x53: {  	s31 =	simm.s32 $0x14900;
	[sflag:s6] =	ssyncadd.s32 $0xFFFFC000  }
0x54: {  	[spmem:s3] =	stream.indirect.scatter.add.f32 [tilespmem:s18], [sflag:$0x3], $0x80, s31, s17, $0xb8;
	[tilespmem:$0x1D400] =	vst v63  }
0x55: {  	_ =	swait.ge [sflag:s21], $0x4000  }
0x56: {  	[sflag:s21] =	ssyncset.done $0x0  }
0x57: {  	s31 =	simm.s32 $0x14980;
	[sflag:s21] =	ssyncadd.s32 $0xFFFFC000  }
0x58: {  	[spmem:s3] =	stream.indirect.scatter.add.f32 [tilespmem:s20], [sflag:$0x4], $0x80, s31, s17, $0xb8;
	[tilespmem:$0x1D400] =	vst v63  }
0x59: {  	_ =	swait.ge [sflag:s23], $0x4000  }
0x5a: {  	[sflag:s23] =	ssyncset.done $0x0  }
0x5b: {  	s31 =	simm.s32 $0x13E00;
	[sflag:s23] =	ssyncadd.s32 $0xFFFFC000  }
0x5c: {  	[tilespmem:s18], [sflag:$0x1] =	stream.indirect.gather [hbm4b:s1+s17], $0x80, s31, s17, $0xb8;
	[tilespmem:$0x1D400] =	vst v63  }
0x5d: {  	_ =	swait.ge [sflag:s25], $0x4000  }
0x5e: {  	[sflag:s25] =	ssyncset.done $0x0  }
0x5f: {  	s31 =	simm.s32 $0x13E80;
	[sflag:s25] =	ssyncadd.s32 $0xFFFFC000  }
0x60: {  	[tilespmem:s20], [sflag:$0x2] =	stream.indirect.gather [hbm4b:s1+s17], $0x80, s31, s17, $0xb8;
	[tilespmem:$0x1D400] =	vst v63  }
0x61: {  	_ =	swait.ge [sflag:s6], $0x4000  }
0x62: {  	[sflag:s6] =	ssyncset.done $0x0  }
0x63: {  	s31 =	simm.s32 $0x14A00;
	[sflag:s6] =	ssyncadd.s32 $0xFFFFC000  }
0x64: {  	[spmem:s3] =	stream.indirect.scatter.add.f32 [tilespmem:s18], [sflag:$0x3], $0x80, s31, s17, $0xb8;
	[tilespmem:$0x1D400] =	vst v63  }
0x65: {  	_ =	swait.ge [sflag:s21], $0x4000  }
0x66: {  	[sflag:s21] =	ssyncset.done $0x0  }
0x67: {  	s31 =	simm.s32 $0x14A80;
	[sflag:s21] =	ssyncadd.s32 $0xFFFFC000  }
0x68: {  	[spmem:s3] =	stream.indirect.scatter.add.f32 [tilespmem:s20], [sflag:$0x4], $0x80, s31, s17, $0xb8;
	[tilespmem:$0x1D400] =	vst v63  }
0x69: {  	_ =	swait.ge [sflag:s23], $0x4000  }
0x6a: {  	[sflag:s23] =	ssyncset.done $0x0  }
0x6b: {  	s31 =	simm.s32 $0x13F00;
	[sflag:s23] =	ssyncadd.s32 $0xFFFFC000  }
0x6c: {  	[tilespmem:s18], [sflag:$0x1] =	stream.indirect.gather [hbm4b:s1+s17], $0x80, s31, s17, $0xb8;
	[tilespmem:$0x1D400] =	vst v63  }
0x6d: {  	_ =	swait.ge [sflag:s25], $0x4000  }
0x6e: {  	[sflag:s25] =	ssyncset.done $0x0  }
0x6f: {  	s31 =	simm.s32 $0x13F80;
	[sflag:s25] =	ssyncadd.s32 $0xFFFFC000  }
0x70: {  	[tilespmem:s20], [sflag:$0x2] =	stream.indirect.gather [hbm4b:s1+s17], $0x80, s31, s17, $0xb8;
	[tilespmem:$0x1D400] =	vst v63  }
0x71: {  	_ =	swait.ge [sflag:s6], $0x4000  }
0x72: {  	[sflag:s6] =	ssyncset.done $0x0  }
0x73: {  	s31 =	simm.s32 $0x14B00;
	[sflag:s6] =	ssyncadd.s32 $0xFFFFC000  }
0x74: {  	[spmem:s3] =	stream.indirect.scatter.add.f32 [tilespmem:s18], [sflag:$0x3], $0x80, s31, s17, $0xb8;
	[tilespmem:$0x1D400] =	vst v63  }
0x75: {  	_ =	swait.ge [sflag:s21], $0x4000  }
0x76: {  	[sflag:s21] =	ssyncset.done $0x0  }
0x77: {  	s31 =	simm.s32 $0x14B80;
	[sflag:s21] =	ssyncadd.s32 $0xFFFFC000  }
0x78: {  	[spmem:s3] =	stream.indirect.scatter.add.f32 [tilespmem:s20], [sflag:$0x4], $0x80, s31, s17, $0xb8;
	[tilespmem:$0x1D400] =	vst v63  }
0x79: {  	_ =	swait.ge [sflag:s23], $0x4000  }
0x7a: {  	[sflag:s23] =	ssyncset.done $0x0  }
0x7b: {  	s31 =	simm.s32 $0x14000;
	[sflag:s23] =	ssyncadd.s32 $0xFFFFC000  }
0x7c: {  	[tilespmem:s18], [sflag:$0x1] =	stream.indirect.gather [hbm4b:s1+s17], $0x80, s31, s17, $0xb8;
	[tilespmem:$0x1D400] =	vst v63  }
0x7d: {  	_ =	swait.ge [sflag:s25], $0x4000  }
0x7e: {  	[sflag:s25] =	ssyncset.done $0x0  }
0x7f: {  	s31 =	simm.s32 $0x14080;
	[sflag:s25] =	ssyncadd.s32 $0xFFFFC000  }
0x80: {  	[tilespmem:s20], [sflag:$0x2] =	stream.indirect.gather [hbm4b:s1+s17], $0x80, s31, s17, $0xb8;
	[tilespmem:$0x1D400] =	vst v63  }
0x81: {  	_ =	swait.ge [sflag:s6], $0x4000  }
0x82: {  	[sflag:s6] =	ssyncset.done $0x0  }
0x83: {  	s31 =	simm.s32 $0x14C00;
	[sflag:s6] =	ssyncadd.s32 $0xFFFFC000  }
0x84: {  	[spmem:s3] =	stream.indirect.scatter.add.f32 [tilespmem:s18], [sflag:$0x3], $0x80, s31, s17, $0xb8;
	[tilespmem:$0x1D400] =	vst v63  }
0x85: {  	_ =	swait.ge [sflag:s21], $0x4000  }
0x86: {  	[sflag:s21] =	ssyncset.done $0x0  }
0x87: {  	s31 =	simm.s32 $0x14C80;
	[sflag:s21] =	ssyncadd.s32 $0xFFFFC000  }
0x88: {  	[spmem:s3] =	stream.indirect.scatter.add.f32 [tilespmem:s20], [sflag:$0x4], $0x80, s31, s17, $0xb8;
	[tilespmem:$0x1D400] =	vst v63  }
0x89: {  	_ =	swait.ge [sflag:s23], $0x4000  }
0x8a: {  	[sflag:s23] =	ssyncset.done $0x0  }
0x8b: {  	s31 =	simm.s32 $0x14100;
	[sflag:s23] =	ssyncadd.s32 $0xFFFFC000  }
0x8c: {  	[tilespmem:s18], [sflag:$0x1] =	stream.indirect.gather [hbm4b:s1+s17], $0x80, s31, s17, $0xb8;
	[tilespmem:$0x1D400] =	vst v63  }
0x8d: {  	_ =	swait.ge [sflag:s25], $0x4000  }
0x8e: {  	[sflag:s25] =	ssyncset.done $0x0  }
0x8f: {  	s31 =	simm.s32 $0x14180;
	[sflag:s25] =	ssyncadd.s32 $0xFFFFC000  }
0x90: {  	[tilespmem:s20], [sflag:$0x2] =	stream.indirect.gather [hbm4b:s1+s17], $0x80, s31, s17, $0xb8;
	[tilespmem:$0x1D400] =	vst v63  }
0x91: {  	_ =	swait.ge [sflag:s6], $0x4000  }
0x92: {  	[sflag:s6] =	ssyncset.done $0x0  }
0x93: {  	s31 =	simm.s32 $0x14D00;
	[sflag:s6] =	ssyncadd.s32 $0xFFFFC000  }
0x94: {  	[spmem:s3] =	stream.indirect.scatter.add.f32 [tilespmem:s18], [sflag:$0x3], $0x80, s31, s17, $0xb8;
	[tilespmem:$0x1D400] =	vst v63  }
0x95: {  	_ =	swait.ge [sflag:s21], $0x4000  }
0x96: {  	[sflag:s21] =	ssyncset.done $0x0  }
0x97: {  	s31 =	simm.s32 $0x14D80;
	[sflag:s21] =	ssyncadd.s32 $0xFFFFC000  }
0x98: {  	[spmem:s3] =	stream.indirect.scatter.add.f32 [tilespmem:s20], [sflag:$0x4], $0x80, s31, s17, $0xb8;
	[tilespmem:$0x1D400] =	vst v63  }
0x99: {  	_ =	swait.ge [sflag:s23], $0x4000  }
0x9a: {  	[sflag:s23] =	ssyncset.done $0x0  }
0x9b: {  	s31 =	simm.s32 $0x14200;
	[sflag:s23] =	ssyncadd.s32 $0xFFFFC000  }
0x9c: {  	[tilespmem:s18], [sflag:$0x1] =	stream.indirect.gather [hbm4b:s1+s17], $0x80, s31, s17, $0xb8;
	[tilespmem:$0x1D400] =	vst v63  }
0x9d: {  	_ =	swait.ge [sflag:s25], $0x4000  }
0x9e: {  	[sflag:s25] =	ssyncset.done $0x0  }
0x9f: {  	s31 =	simm.s32 $0x14280;
	[sflag:s25] =	ssyncadd.s32 $0xFFFFC000  }
0xa0: {  	[tilespmem:s20], [sflag:$0x2] =	stream.indirect.gather [hbm4b:s1+s17], $0x80, s31, s17, $0xb8;
	[tilespmem:$0x1D400] =	vst v63  }
0xa1: {  	_ =	swait.ge [sflag:s6], $0x4000  }
0xa2: {  	[sflag:s6] =	ssyncset.done $0x0  }
0xa3: {  	s31 =	simm.s32 $0x14E00;
	[sflag:s6] =	ssyncadd.s32 $0xFFFFC000  }
0xa4: {  	[spmem:s3] =	stream.indirect.scatter.add.f32 [tilespmem:s18], [sflag:$0x3], $0x80, s31, s17, $0xb8;
	[tilespmem:$0x1D400] =	vst v63  }
0xa5: {  	_ =	swait.ge [sflag:s21], $0x4000  }
0xa6: {  	[sflag:s21] =	ssyncset.done $0x0  }
0xa7: {  	[sflag:s21] =	ssyncadd.s32 $0xFFFFC000  }
0xa8: {  	[spmem:s3] =	stream.indirect.scatter.add.f32 [tilespmem:s20], [sflag:$0x4], $0x80, s2, s17, $0xb8;
	[tilespmem:$0x1D400] =	vst v63  }
0xa9: {  	_ =	swait.ge [sflag:s23], $0x4000  }
0xaa: {  	[sflag:s23] =	ssyncset.done $0x0  }
0xab: {  	[sflag:s23] =	ssyncadd.s32 $0xFFFFC000  }
0xac: {  	[tilespmem:s18], [sflag:$0x1] =	stream.indirect.gather [hbm4b:s1+s17], $0x80, s0, s17, $0xb8;
	[tilespmem:$0x1D400] =	vst v63  }
0xad: {  	_ =	swait.ge [sflag:s25], $0x4000  }
0xae: {  	[sflag:s25] =	ssyncset.done $0x0  }
0xaf: {  	[sflag:s25] =	ssyncadd.s32 $0xFFFFC000  }
0xb0: {  	[tilespmem:s20], [sflag:$0x2] =	stream.indirect.gather [hbm4b:s1+s17], $0x80, s5, s17, $0xb8;
	[tilespmem:$0x1D400] =	vst v63  }
0xb1: {  	_ =	swait.ge [sflag:s6], $0x4000  }
0xb2: {  	[sflag:s6] =	ssyncset.done $0x0  }
0xb3: {  	[sflag:s6] =	ssyncadd.s32 $0xFFFFC000  }
0xb4: {  	[spmem:s3] =	stream.indirect.scatter.add.f32 [tilespmem:s18], [sflag:$0x3], $0x80, s9, s17, $0xb8;
	[tilespmem:$0x1D400] =	vst v63  }
0xb5: {  	_ =	swait.ge [sflag:s21], $0x4000  }
0xb6: {  	[sflag:s21] =	ssyncset.done $0x0  }
0xb7: {  	[sflag:s21] =	ssyncadd.s32 $0xFFFFC000  }
0xb8: {  	[spmem:s3] =	stream.indirect.scatter.add.f32 [tilespmem:s20], [sflag:$0x4], $0x80, s10, s17, $0xb8;
	[tilespmem:$0x1D400] =	vst v63  }
0xb9: {  	_ =	swait.ge [sflag:s23], $0x4000  }
0xba: {  	[sflag:s23] =	ssyncset.done $0x0  }
0xbb: {  	[sflag:s23] =	ssyncadd.s32 $0xFFFFC000  }
0xbc: {  	[tilespmem:s18], [sflag:$0x1] =	stream.indirect.gather [hbm4b:s1+s17], $0x80, s11, s17, $0xb8;
	[tilespmem:$0x1D400] =	vst v63  }
0xbd: {  	_ =	swait.ge [sflag:s25], $0x4000  }
0xbe: {  	[sflag:s25] =	ssyncset.done $0x0  }
0xbf: {  	[sflag:s25] =	ssyncadd.s32 $0xFFFFC000  }
0xc0: {  	[tilespmem:s20], [sflag:$0x2] =	stream.indirect.gather [hbm4b:s1+s17], $0x80, s12, s17, $0xb8;
	[tilespmem:$0x1D400] =	vst v63  }
0xc1: {  	_ =	swait.ge [sflag:s6], $0x4000  }
0xc2: {  	[sflag:s6] =	ssyncset.done $0x0  }
0xc3: {  	[sflag:s6] =	ssyncadd.s32 $0xFFFFC000  }
0xc4: {  	[spmem:s3] =	stream.indirect.scatter.add.f32 [tilespmem:s18], [sflag:$0x3], $0x80, s8, s17, $0xb8;
	[tilespmem:$0x1D400] =	vst v63  }
0xc5: {  	_ =	swait.ge [sflag:s21], $0x4000  }
0xc6: {  	[sflag:s21] =	ssyncset.done $0x0  }
0xc7: {  	[sflag:s21] =	ssyncadd.s32 $0xFFFFC000  }
0xc8: {  	[spmem:s3] =	stream.indirect.scatter.add.f32 [tilespmem:s20], [sflag:$0x4], $0x80, s13, s17, $0xb8;
	[tilespmem:$0x1D400] =	vst v63  }
0xc9: {  	_ =	swait.ge [sflag:s23], $0x4000  }
0xca: {  	[sflag:s23] =	ssyncset.done $0x0  }
0xcb: {  	[sflag:s23] =	ssyncadd.s32 $0xFFFFC000  }
0xcc: {  	[tilespmem:s18], [sflag:$0x1] =	stream.indirect.gather [hbm4b:s1+s17], $0x80, s19, s17, $0xb8;
	[tilespmem:$0x1D400] =	vst v63  }
0xcd: {  	_ =	swait.ge [sflag:s25], $0x4000  }
0xce: {  	[sflag:s25] =	ssyncset.done $0x0  }
0xcf: {  	[sflag:s25] =	ssyncadd.s32 $0xFFFFC000  }
0xd0: {  	[tilespmem:s20], [sflag:$0x2] =	stream.indirect.gather [hbm4b:s1+s17], $0x80, s22, s17, $0xb8;
	[tilespmem:$0x1D400] =	vst v63  }
0xd1: {  	_ =	swait.ge [sflag:s6], $0x4000  }
0xd2: {  	[sflag:s6] =	ssyncset.done $0x0  }
0xd3: {  	[sflag:s6] =	ssyncadd.s32 $0xFFFFC000  }
0xd4: {  	[spmem:s3] =	stream.indirect.scatter.add.f32 [tilespmem:s18], [sflag:$0x3], $0x80, s24, s17, $0xb8;
	[tilespmem:$0x1D400] =	vst v63  }
0xd5: {  	_ =	swait.ge [sflag:s21], $0x4000  }
0xd6: {  	[sflag:s21] =	ssyncset.done $0x0  }
0xd7: {  	[sflag:s21] =	ssyncadd.s32 $0xFFFFC000  }
0xd8: {  	[spmem:s3] =	stream.indirect.scatter.add.f32 [tilespmem:s20], [sflag:$0x4], $0x80, s26, s17, $0xb8;
	[tilespmem:$0x1D400] =	vst v63  }
0xd9: {  	_ =	swait.ge [sflag:s23], $0x4000  }
.Ltmp5:
0xda: {  	[sflag:s23] =	ssyncset.done $0x0;
	(pc) =	sbr.rel .LBB2_4-.Ltmp5, $4  }
0xdb: {  	[sflag:s23] =	ssyncadd.s32 $0xFFFFC000  }
0xdc: {  	_ =	swait.ge [sflag:s25], $0x4000  }
0xdd: {  	[sflag:s25] =	ssyncset.done $0x0  }
0xde: {  	[sflag:s25] =	ssyncadd.s32 $0xFFFFC000  }
.LBB2_6:
0xdf: {  	_ =	sfence.sel $0x180000  }
0xe0: {  	[bflag:$0x0] =	sbarrier.arrive $0xFFFF  }
0xe1: {  	_ =	strace $0x9000004A  }
0xe2: {  	s0 =	stileid.u32;
	[bflag:$0x2] =	sbarrier.arrive $0xFFFF  }
0xe3: {  	p0 =	sne.s32 s0, $0x0;
	s0 =	rddreg [dreg:$0x3]  }
0xe4: {  	s0 =	sadd.s32 @!p0 $0x100000, s0  }
0xe5: {  	[sflag:s0] =	ssyncadd.tile.s32 @!p0 $0x1;
	_ =	shalt  }
.Lfunc_end2:
_tile_overlayer_lowered:
.L_overlay_start_2:
0xe6: {  	(tag) =	ssettag $0x2  }
0xe7: {  	s0 =	rddreg [dreg:$0x0];
	s2 =	stileid.u32  }
0xe8: {  	s1 =	rddreg [dreg:$0x1];
	p0 =	sne.s32 s2, $0x0  }
0xe9: {  	s3 =	rddreg [dreg:$0x2];
	[bflag:$0x3] =	sbarrier.arrive $0xFFFF;
	s2 =	simm.s32 @!p0 $0x1C05  }
0xea: {  	[timem:s3], [sflag:s2] =	dma.local @!p0 [hbm:s0], s1  }
0xeb: {  	s0 =	simm.s32 @!p0 $0x5  }
0xec: {  	_ =	swait.ge @!p0 [sflag:s0], s1  }
0xed: {  	s1 =	ssub.s32 @!p0 $0x0, s1;
	[sflag:s0] =	ssyncset.done @!p0 $0x0  }
0xee: {  	[sflag:s0] =	ssyncadd.s32 @!p0 s1  }
0xef: {  	[bflag:$0x3] =	sbarrier.arrive $0xFFFF  }
0xf0: {  	_ =	shalt  }

// kernel: kernel.16.cloned.1.call-start
scs
__scs_entry_jumppad:
0x0: {  	(pc) =	sbr.rel $0x88, $3  }
0x1: {  	(tag) =	ssettag $0x0;
	lr =	simm.s32 $0x1  }
0x2: {  	[smem:$0x3F96] =	sst lr;
	_ =	strace $0xD0000000  }
0x3: {  	_ = 	snop  }
0x4: {  	_ = 	snop  }
0x5: {  	_ = 	snop  }
0x6: {  	_ = 	snop  }
0x7: {  	_ = 	snop  }
__scs_overlays_trampoline_lowered:
0x8: {  	[smem:$0x3FA5] =	sst s0  }
0x9: {  	[smem:$0x3FA6] =	sst s1  }
0xa: {  	[smem:$0x3FA7] =	sst s2  }
0xb: {  	[smem:$0x3FA8] =	sst s3  }
0xc: {  	[smem:$0x3FA9] =	sst s4  }
0xd: {  	[smem:$0x3FAA] =	sst s5  }
0xe: {  	[smem:$0x3FAB] =	sst s6  }
0xf: {  	[smem:$0x3FAC] =	sst s7  }
0x10: {  	[smem:$0x3FAD] =	sst s8  }
0x11: {  	[smem:$0x3FAE] =	sst s9;
	s0 =	simm.s32 @!p0 $0x0  }
0x12: {  	s1 =	sld [smem:$0x3F94];
	s0 =	simm.s32 @p0 $0x1  }
0x13: {  	[smem:$0x3FAF] =	sst s0;
	s0 =	simm.s32 @!p1 $0x0  }
0x14: {  	s2 =	sld [smem:$0x3F93];
	s0 =	simm.s32 @p1 $0x1  }
0x15: {  	[smem:$0x3FB0] =	sst s0;
	s0 =	simm.s32 @!p2 $0x0  }
0x16: {  	s3 =	sld [smem:$0x3FDB];
	s0 =	simm.s32 @p2 $0x1  }
0x17: {  	s4 =	simm.s32 $0x1BF5;
	[smem:$0x3FB2] =	sst s0  }
0x18: {  	s0 =	sld [smem:$0x3F95];
	_ =	swait.ge [sflag:s4], $0x0  }
0x19: {  	s7 =	sld [smem:$0x3F96]  }
0x1a: {  	s8 =	sadd.s32 $0xFFFFE003, lr  }
0x1b: {  	s9 =	sadd.s32 $0xFFFFFEF7, lr;
	s5 =	simm.s32 $0xFFFFFFFF;
	p2 =	slt.u32 s8, $0xFFFFF086  }
0x1c: {  	p1 =	slt.u32 s9, $0xF7A;
	s5 =	simm.s32 @!p2 $0x0  }
0x1d: {  	s5 =	simm.s32 @p1 $0x1;
	p0 =	seq.s32 s7, s2  }
0x1e: {  	s7 =	smul.u32 @!p0 $0xF7A, s2;
	p2 =	seq.s32 @!p0 s5, $0x0  }
0x1f: {  	s9 =	smul.u32 $0xF7A, s1;
	s8 =	simm.s32 @!p0 $0x1BF5;
	p2 =	por !p2, p0  }
0x20: {  	[sflag:s8] =	ssyncset.s32 @!p0 $0xFFFFF086;
	s6 =	sadd.s32 @!p0 s3, s7;
	s7 =	simm.s32 @!p0 $0x108  }
0x21: {  	s3 =	sadd.s32 s3, s9;
	s6 =	sadd.s32 @!p0 $0x88, s6;
	s7 =	simm.s32 @p2 $0x1082  }
0x22: {  	[simem:s7], [sflag:s8] =	dma.local @!p0 [hbm:s6], $0xF7A  }
0x23: {  	s9 =	sor.u32 $0xD0000000, s2;
	s6 =	simm.s32 $0x108;
	_ =	swait.ge @!p0 [sflag:s8], $0x0  }
0x24: {  	s3 =	sadd.s32 $0x88, s3;
	s6 =	simm.s32 @!p1 $0x1082;
	[sflag:s4] =	ssyncset.s32 $0xFFFFF086  }
0x25: {  	[simem:s6], [sflag:s4] =	dma.local [hbm:s3], $0xF7A  }
0x26: {  	[smem:$0x3F96] =	sst s1;
	(tag) =	ssettag s2;
	_ =	strace s9  }
0x27: {  	s1 =	sld [smem:$0x3FA6]  }
0x28: {  	s2 =	sld [smem:$0x3FA7]  }
0x29: {  	s4 =	sld [smem:$0x3FA9]  }
0x2a: {  	p0 =	seq.s32 s5, $0x0;
	s5 =	sld [smem:$0x3FAA]  }
0x2b: {  	s6 =	sld [smem:$0x3FAB]  }
0x2c: {  	s7 =	sld [smem:$0x3FAC]  }
0x2d: {  	s3 =	simm.s32 $0x108;
	s8 =	sld [smem:$0x3FAD]  }
0x2e: {  	s3 =	simm.s32 @!p0 $0x1082;
	s9 =	sld [smem:$0x3FAE]  }
0x2f: {  	lr =	sadd.s32 s0, s3;
	s0 =	sld [smem:$0x3FA5]  }
0x30: {  	s3 =	sld [smem:$0x3FA8]  }
0x31: {  	[smem:$0x3FB1] =	sst s10  }
0x32: {  	s10 =	sld [smem:$0x3FAF];
	_ =	sdelay $0x3  }
0x33: {  	p0 =	seq.s32 s10, $0x1;
	s10 =	sld [smem:$0x3FB1];
	_ =	sdelay $0x3  }
0x34: {  	[smem:$0x3FB1] =	sst s10  }
0x35: {  	s10 =	sld [smem:$0x3FB0];
	_ =	sdelay $0x3  }
0x36: {  	p1 =	seq.s32 s10, $0x1;
	s10 =	sld [smem:$0x3FB1];
	_ =	sdelay $0x3  }
0x37: {  	[smem:$0x3FB1] =	sst s10  }
0x38: {  	s10 =	sld [smem:$0x3FB2]  }
0x39: {  	_ = 	snop;
	(pc) =	sbr.ind lr, $3  }
0x3a: {  	_ = 	snop  }
0x3b: {  	_ = 	snop  }
0x3c: {  	p2 =	seq.s32 s10, $0x1;
	s10 =	sld [smem:$0x3FB1]  }
0x3d: {  	_ =	shalt  }
0x3e: {  	_ =	shalt  }
0x3f: {  	_ =	shalt  }
0x40: {  	_ =	shalt  }
0x41: {  	_ =	shalt  }
0x42: {  	_ =	shalt  }
0x43: {  	_ =	shalt  }
0x44: {  	_ =	shalt  }
0x45: {  	_ =	shalt  }
0x46: {  	_ =	shalt  }
0x47: {  	_ =	shalt  }
0x48: {  	_ =	shalt  }
0x49: {  	_ =	shalt  }
0x4a: {  	_ =	shalt  }
0x4b: {  	_ =	shalt  }
0x4c: {  	_ =	shalt  }
0x4d: {  	_ =	shalt  }
0x4e: {  	_ =	shalt  }
0x4f: {  	_ =	shalt  }
0x50: {  	_ =	shalt  }
0x51: {  	_ =	shalt  }
0x52: {  	_ =	shalt  }
0x53: {  	_ =	shalt  }
0x54: {  	_ =	shalt  }
0x55: {  	_ =	shalt  }
0x56: {  	_ =	shalt  }
0x57: {  	_ =	shalt  }
0x58: {  	_ =	shalt  }
0x59: {  	_ =	shalt  }
0x5a: {  	_ =	shalt  }
0x5b: {  	_ =	shalt  }
0x5c: {  	_ =	shalt  }
0x5d: {  	_ =	shalt  }
0x5e: {  	_ =	shalt  }
0x5f: {  	_ =	shalt  }
0x60: {  	_ =	shalt  }
0x61: {  	_ =	shalt  }
0x62: {  	_ =	shalt  }
0x63: {  	_ =	shalt  }
0x64: {  	_ =	shalt  }
0x65: {  	_ =	shalt  }
0x66: {  	_ =	shalt  }
0x67: {  	_ =	shalt  }
0x68: {  	_ =	shalt  }
0x69: {  	_ =	shalt  }
0x6a: {  	_ =	shalt  }
0x6b: {  	_ =	shalt  }
0x6c: {  	_ =	shalt  }
0x6d: {  	_ =	shalt  }
0x6e: {  	_ =	shalt  }
0x6f: {  	_ =	shalt  }
0x70: {  	_ =	shalt  }
0x71: {  	_ =	shalt  }
0x72: {  	_ =	shalt  }
0x73: {  	_ =	shalt  }
0x74: {  	_ =	shalt  }
0x75: {  	_ =	shalt  }
0x76: {  	_ =	shalt  }
0x77: {  	_ =	shalt  }
0x78: {  	_ =	shalt  }
0x79: {  	_ =	shalt  }
0x7a: {  	_ =	shalt  }
0x7b: {  	_ =	shalt  }
0x7c: {  	_ =	shalt  }
0x7d: {  	_ =	shalt  }
0x7e: {  	_ =	shalt  }
0x7f: {  	_ =	shalt  }
0x80: {  	_ =	shalt  }
0x81: {  	_ =	shalt  }
0x82: {  	_ =	shalt  }
0x83: {  	_ =	shalt  }
0x84: {  	_ =	shalt  }
0x85: {  	_ =	shalt  }
0x86: {  	_ =	shalt  }
0x87: {  	_ =	shalt  }
.Lfunc_end0:
.L_simem_size_0:
called_computation.2_lowered:
.L_overlay_start_0:
0x88: {  	s2 =	sld [smem:$0x3FD9]  }
0x89: {  	s3 =	sld [smem:$0x3FFE];
	_ =	sdelay $0x1  }
0x8a: {  	s1 =	srdreg.scid  }
0x8b: {  	s0 =	sand.u32 $0x1, s1  }
0x8c: {  	s17 =	sshll.u32 s0, $0xA;
	s2 =	sadd.s32 s3, s2  }
0x8d: {  	s2 =	sadd.s32 s2, s17  }
0x8e: {  	[smem:$0x3FBD] =	sst s2  }
0x8f: {  	_ = 	snop  }
0x90: {  	s2 =	sld [smem:$0x3FD0];
	(tm) =	ssettm $0x1  }
0x91: {  	s18 =	sld [smem:$0x3FFB];
	_ =	sdelay $0x3  }
0x92: {  	_ =	strace s18  }
0x93: {  	s3 =	sld [smem:$0x3FFC];
	_ =	sdelay $0x3  }
0x94: {  	_ =	strace s3  }
0x95: {  	s3 =	sld [smem:$0x3FFD];
	_ =	sdelay $0x3  }
0x96: {  	_ =	strace s3  }
0x97: {  	_ =	strace $0x8FFFFFFF  }
0x98: {  	s19 =	sld [smem:$0x3FDB];
	_ =	sdelay $0x1  }
0x99: {  	s4 =	simm.s32 $_scs_section_size  }
0x9a: {  	s5 =	simm.s32 $_size__tile_overlayer_lowered;
	s6 =	simm.s32 $_tile_overlayer_lowered  }
0x9b: {  	s22 =	simm.s32 $0x1BFF;
	s21 =	sshll.u32 s6, $0x1;
	s3 =	sadd.s32 s4, s19  }
0x9c: {  	s7 =	simm.s32 $0x0;
	s20 =	sshll.u32 s5, $0x1;
	s5 =	sadd.s32 s21, s3  }
0x9d: {  	[timem:s7], [sflag:s22] =	dma.local [hbm:s5], s20  }
0x9e: {  	_ =	swait.ge [sflag:s22], s20  }
0x9f: {  	s4 =	ssub.s32 $0x0, s20;
	[sflag:s22] =	ssyncset.done $0x0  }
0xa0: {  	[sflag:s22] =	ssyncadd.s32 s4;
	_ =	sdelay $0x1  }
0xa1: {  	s23 =	simm.s32 $0x1B8B  }
0xa2: {  	_ =	swait.ge [sflag:s23], $0x1  }
0xa3: {  	[sflag:s23] =	ssyncset.done $0x0  }
0xa4: {  	s25 =	simm.s32 $0x1B8E;
	s24 =	sld [smem:$0x3FFE];
	[sflag:s23] =	ssyncadd.s32 $0xFFFFFFFF  }
0xa5: {  	s26 =	simm.s32 $execute0_lowered;
	[smem:$0x3FD2] =	sst s25  }
0xa6: {  	s5 =	sshll.u32 s26, $0x1;
	_ =	strace $0x8000004C;
	[dreg:$0x1] =	wrdreg $0xFFFFFFFF  }
0xa7: {  	s28 =	simm.s32 $_size_execute0_lowered;
	s3 =	sadd.s32 s3, s5;
	[dreg:$0x0] =	wrdreg $0x0  }
0xa8: {  	s5 =	sshll.u32 s28, $0x1;
	[dreg:$0x2] =	wrdreg s3  }
0xa9: {  	[dreg:$0x3] =	wrdreg s5  }
0xaa: {  	[dreg:$0x4] =	wrdreg $0xC0  }
0xab: {  	_ =	task [dreg:s7], $0x5FFFF  }
0xac: {  	[dreg:$0x1] =	wrdreg $0xFFFFFFFF  }
0xad: {  	[dreg:$0x0] =	wrdreg $0x60  }
0xae: {  	[dreg:$0x2] =	wrdreg s2  }
0xaf: {  	[dreg:$0x3] =	wrdreg s24  }
0xb0: {  	[dreg:$0x4] =	wrdreg $0x0  }
0xb1: {  	[dreg:$0x5] =	wrdreg $0x9  }
0xb2: {  	_ =	task.clear_ibuf [dreg:s7], $0x6FFFF;
	_ =	strace $0x9000004C  }
0xb3: {  	s29 =	simm.s32 $0x9;
	_ =	strace $0x8000004E  }
0xb4: {  	_ =	swait.ge [sflag:s29], $0x1  }
0xb5: {  	[sflag:s29] =	ssyncadd.s32 $0xFFFFFFFF  }
0xb6: {  	_ =	strace $0x9000004E  }
0xb7: {  	_ =	sfence  }
0xb8: {  	s30 =	sld [smem:$0x0];
	_ =	sdelay $0x2  }
0xb9: {  	s31 =	sshll.u32 s1, $0xD;
	s1 =	sshrl.u32 s1, $0x2  }
0xba: {  	s3 =	sand.u32 $0x4000, s31;
	s1 =	sadd.s32 s1, s30  }
0xbb: {  	s0 =	sor.u32 s3, s0;
	s1 =	sshll.u32 s1, $0x11  }
0xbc: {  	s0 =	sor.u32 s1, s0  }
0xbd: {  	s0 =	sadd.s32 $0x8F2B, s0  }
0xbe: {  	[sflag:s0] =	ssyncadd.remote.s32 $0x1  }
0xbf: {  	_ =	sfence.sel $0xFFFF  }
0xc0: {  	[dreg:$0x0] =	wrdreg $0xFFFFFFFF;
	(pc) =	sbr.abs _section_cstart, $3  }
0xc1: {  	[dreg:$0x1] =	wrdreg $0xFFFFFFFF  }
0xc2: {  	_ =	task.clear_ibuf [dreg:s7], $0x2FFFF;
	_ =	strace $0x9FFFFFFF  }
0xc3: {  	(tm) =	ssettm $0x7FFFFFFF  }
tec
execute0_lowered:
.L_overlay_start_1:
0x0: {  	(tag) =	ssettag $0x1  }
0x1: {  	s1 =	rddreg [dreg:$0x0]  }
0x2: {  	s0 =	srdreg.scid;
	s2 =	rddreg [dreg:$0x1]  }
0x3: {  	s10 =	stileid.u32;
	s3 =	rddreg [dreg:$0x2];
	s4 =	simm.s32 $0x0  }
0x4: {  	s14 =	simm.s32 $0x5;
	s15 =	simm.s32 $0x13C00;
	s16 =	simm.s32 $0x14800  }
0x5: {  	s17 =	simm.s32 $0x80;
	s18 =	simm.s32 $0x15400;
	s20 =	simm.s32 $0x19400  }
0x6: {  	s11 =	simm.s32 $0x14400;
	s12 =	simm.s32 $0x14480;
	s6 =	smul.u32 $0x5400, s10  }
0x7: {  	s13 =	simm.s32 $0x15080;
	s19 =	simm.s32 $0x14500;
	s7 =	smul.u32 $0x13C00, s10  }
0x8: {  	s0 =	sand.u32 $0x1, s0;
	[smem:$0x7FF] =	sst s4;
	s9 =	smul.u32 $0x4F000, s10  }
0x9: {  	s8 =	sadd.s32 $0x3200, s2;
	s25 =	sshll.u32 s10, $0x6;
	s5 =	smul.u32 $0x54000, s0  }
0xa: {  	s10 =	simm.s32 $0x14F80;
	s21 =	smul.u32 $0x13C000, s0;
	_ =	strace $0x8000004D  }
0xb: {  	[dreg:$0x4] =	wrdreg s8;
	s22 =	ssub.s32 $0x2, s0;
	p0 =	seq.s32 s0, $0x0  }
0xc: {  	s29 =	sor.u32 $0x1C05, s25;
	s25 =	simm.s32 $0x4;
	s23 =	sshrl.u32 s22, $0x1  }
0xd: {  	s24 =	sshrl.u32 s9, $0x2;
	s9 =	simm.s32 $0x14F00;
	[dreg:$0x5] =	wrdreg s29  }
0xe: {  	s5 =	sadd.s32 s6, s5;
	s6 =	sadd.s32 s7, s21;
	s8 =	ssub.s32 s22, s23  }
0xf: {  	s7 =	simm.s32 $0x1;
	s0 =	sadd.s32 s24, s3;
	s21 =	simm.s32 $0x2  }
0x10: {  	s23 =	simm.s32 $0x3;
	s22 =	simm.s32 $0x14580;
	s24 =	simm.s32 $0x15100  }
0x11: {  	s5 =	sshrl.u32 s5, $0x3;
	s6 =	sshrl.u32 s6, $0x3;
	s7 =	simm.s32 @!p0 $0x7  }
0x12: {  	s26 =	smax.u32 s8, $0x1;
	s30 =	sshrl.u32 s0, $0x3;
	s0 =	simm.s32 $0x14300  }
0x13: {  	s5 =	sadd.s32 s5, s2;
	s2 =	sadd.s32 s6, s2;
	[dreg:$0x7] =	wrdreg s26  }
.Ltmp0:
0x14: {  	[dreg:$0xa] =	wrdreg s30;
	s2 =	sadd.s32 $0x7EA00, s2;
	(pc) =	sbr.rel .LBB2_1-.Ltmp0, $4  }
0x15: {  	s8 =	simm.s32 $0x15000;
	s28 =	sadd.s32 $0x69A00, s5;
	[dreg:$0x6] =	wrdreg s2  }
0x16: {  	s6 =	simm.s32 $0x1;
	s31 =	sadd.s32 $0x54A00, s5;
	[dreg:$0x8] =	wrdreg s28  }
0x17: {  	s26 =	simm.s32 $0x15180;
	[dreg:$0x9] =	wrdreg s31;
	s28 =	simm.s32 $0x0  }
0x18: {  	s5 =	simm.s32 $0x14380;
	s2 =	simm.s32 $0x14E80;
	[dreg:$0xb] =	wrdreg s28  }
.LBB2_5:
0x19: {  	[bflag:$0x0] =	sbarrier.arrive $0xFFFF  }
0x1a: {  	s29 =	rddreg [dreg:$0x5]  }
0x1b: {  	s28 =	rddreg [dreg:$0x6]  }
0x1c: {  	s30 =	rddreg [dreg:$0xa]  }
0x1d: {  	[hbm:s28], [sflag:s29] =	dma.local [spmem:s30], $0x2780  }
0x1e: {  	_ =	swait.ge [sflag:s14], $0x2780  }
0x1f: {  	s31 =	rddreg [dreg:$0xb]  }
0x20: {  	s28 =	rddreg [dreg:$0x7];
	s31 =	sadd.s32 $0x1, s31  }
0x21: {  	p0 =	sne.s32 s31, s28  }
.Ltmp1:
0x22: {  	_ = 	snop;
	(pc) =	sbr.rel @!p0 .LBB2_6-.Ltmp1, $3  }
0x23: {  	_ =	sdelay $0x1  }
0x24: {  	[sflag:s14] =	ssyncset.done $0x0  }
0x25: {  	[sflag:s14] =	ssyncadd.s32 $0xFFFFD880;
	[dreg:$0xb] =	wrdreg s31  }
.LBB2_1:
0x26: {  	s28 =	rddreg [dreg:$0x4]  }
0x27: {  	[spmem:s30], [sflag:s29] =	dma.local [hbm:s28], $0x2780  }
0x28: {  	_ =	swait.ge [sflag:s14], $0x2780  }
.Ltmp2:
0x29: {  	[sflag:s14] =	ssyncset.done $0x0;
	(pc) =	sbr.rel .LBB2_2-.Ltmp2, $4  }
0x2a: {  	[sflag:s14] =	ssyncadd.s32 $0xFFFFD880  }
0x2b: {  	[bflag:$0x0] =	sbarrier.arrive $0xFFFF  }
0x2c: {  	s28 =	rddreg [dreg:$0x9]  }
0x2d: {  	s30 =	simm.s32 $0x0;
	s29 =	rddreg [dreg:$0x8]  }
.LBB2_4:
0x2e: {  	s30 =	sadd.s32 $0x1, s30  }
0x2f: {  	p0 =	sne.s32 s30, $0x7  }
.Ltmp3:
0x30: {  	_ = 	snop;
	(pc) =	sbr.rel @!p0 .LBB2_5-.Ltmp3, $2  }
0x31: {  	_ =	sdelay $0x2  }
0x32: {  	s29 =	sadd.s32 $0x180, s29;
	s28 =	sadd.s32 $0x180, s28  }
.LBB2_2:
0x33: {  	p0 =	sge.u32 s30, s7  }
.Ltmp4:
0x34: {  	_ = 	snop;
	(pc) =	sbr.rel @p0 .LBB2_4-.Ltmp4, $1  }
0x35: {  	_ =	sdelay $0x3  }
0x36: {  	[tilespmem:s15], [sflag:$0x5] =	stream.linear.gather [hbm4b:s28+s4], $0xA00, $0x38;
	[tilespmem:$0x1D400] =	vst v63  }
0x37: {  	_ =	swait.ge [sflag:s14], $0xA00  }
0x38: {  	[sflag:s14] =	ssyncset.done $0x0  }
0x39: {  	[sflag:s14] =	ssyncadd.s32 $0xFFFFF600  }
0x3a: {  	[tilespmem:s16], [sflag:$0x5] =	stream.linear.gather [hbm4b:s29+s4], $0xA00, $0x38;
	[tilespmem:$0x1D400] =	vst v63  }
0x3b: {  	_ =	swait.ge [sflag:s14], $0xA00  }
0x3c: {  	[sflag:s14] =	ssyncset.done $0x0  }
0x3d: {  	[sflag:s14] =	ssyncadd.s32 $0xFFFFF600  }
0x3e: {  	[tilespmem:s18], [sflag:$0x1] =	stream.indirect.gather [hbm4b:s1+s17], $0x80, s15, s17, $0xb8;
	[tilespmem:$0x1D400] =	vst v63  }
0x3f: {  	s31 =	simm.s32 $0x13C80  }
0x40: {  	[tilespmem:s20], [sflag:$0x2] =	stream.indirect.gather [hbm4b:s1+s17], $0x80, s31, s17, $0xb8;
	[tilespmem:$0x1D400] =	vst v63  }
0x41: {  	_ =	swait.ge [sflag:s6], $0x4000  }
0x42: {  	[sflag:s6] =	ssyncset.done $0x0  }
0x43: {  	[sflag:s6] =	ssyncadd.s32 $0xFFFFC000  }
0x44: {  	[spmem:s3] =	stream.indirect.scatter.add.f32 [tilespmem:s18], [sflag:$0x3], $0x80, s16, s17, $0xb8;
	[tilespmem:$0x1D400] =	vst v63  }
0x45: {  	_ =	swait.ge [sflag:s21], $0x4000  }
0x46: {  	[sflag:s21] =	ssyncset.done $0x0  }
0x47: {  	s31 =	simm.s32 $0x14880;
	[sflag:s21] =	ssyncadd.s32 $0xFFFFC000  }
0x48: {  	[spmem:s3] =	stream.indirect.scatter.add.f32 [tilespmem:s20], [sflag:$0x4], $0x80, s31, s17, $0xb8;
	[tilespmem:$0x1D400] =	vst v63  }
0x49: {  	_ =	swait.ge [sflag:s23], $0x4000  }
0x4a: {  	[sflag:s23] =	ssyncset.done $0x0  }
0x4b: {  	s31 =	simm.s32 $0x13D00;
	[sflag:s23] =	ssyncadd.s32 $0xFFFFC000  }
0x4c: {  	[tilespmem:s18], [sflag:$0x1] =	stream.indirect.gather [hbm4b:s1+s17], $0x80, s31, s17, $0xb8;
	[tilespmem:$0x1D400] =	vst v63  }
0x4d: {  	_ =	swait.ge [sflag:s25], $0x4000  }
0x4e: {  	[sflag:s25] =	ssyncset.done $0x0  }
0x4f: {  	s31 =	simm.s32 $0x13D80;
	[sflag:s25] =	ssyncadd.s32 $0xFFFFC000  }
0x50: {  	[tilespmem:s20], [sflag:$0x2] =	stream.indirect.gather [hbm4b:s1+s17], $0x80, s31, s17, $0xb8;
	[tilespmem:$0x1D400] =	vst v63  }
0x51: {  	_ =	swait.ge [sflag:s6], $0x4000  }
0x52: {  	[sflag:s6] =	ssyncset.done $0x0  }
0x53: {  	s31 =	simm.s32 $0x14900;
	[sflag:s6] =	ssyncadd.s32 $0xFFFFC000  }
0x54: {  	[spmem:s3] =	stream.indirect.scatter.add.f32 [tilespmem:s18], [sflag:$0x3], $0x80, s31, s17, $0xb8;
	[tilespmem:$0x1D400] =	vst v63  }
0x55: {  	_ =	swait.ge [sflag:s21], $0x4000  }
0x56: {  	[sflag:s21] =	ssyncset.done $0x0  }
0x57: {  	s31 =	simm.s32 $0x14980;
	[sflag:s21] =	ssyncadd.s32 $0xFFFFC000  }
0x58: {  	[spmem:s3] =	stream.indirect.scatter.add.f32 [tilespmem:s20], [sflag:$0x4], $0x80, s31, s17, $0xb8;
	[tilespmem:$0x1D400] =	vst v63  }
0x59: {  	_ =	swait.ge [sflag:s23], $0x4000  }
0x5a: {  	[sflag:s23] =	ssyncset.done $0x0  }
0x5b: {  	s31 =	simm.s32 $0x13E00;
	[sflag:s23] =	ssyncadd.s32 $0xFFFFC000  }
0x5c: {  	[tilespmem:s18], [sflag:$0x1] =	stream.indirect.gather [hbm4b:s1+s17], $0x80, s31, s17, $0xb8;
	[tilespmem:$0x1D400] =	vst v63  }
0x5d: {  	_ =	swait.ge [sflag:s25], $0x4000  }
0x5e: {  	[sflag:s25] =	ssyncset.done $0x0  }
0x5f: {  	s31 =	simm.s32 $0x13E80;
	[sflag:s25] =	ssyncadd.s32 $0xFFFFC000  }
0x60: {  	[tilespmem:s20], [sflag:$0x2] =	stream.indirect.gather [hbm4b:s1+s17], $0x80, s31, s17, $0xb8;
	[tilespmem:$0x1D400] =	vst v63  }
0x61: {  	_ =	swait.ge [sflag:s6], $0x4000  }
0x62: {  	[sflag:s6] =	ssyncset.done $0x0  }
0x63: {  	s31 =	simm.s32 $0x14A00;
	[sflag:s6] =	ssyncadd.s32 $0xFFFFC000  }
0x64: {  	[spmem:s3] =	stream.indirect.scatter.add.f32 [tilespmem:s18], [sflag:$0x3], $0x80, s31, s17, $0xb8;
	[tilespmem:$0x1D400] =	vst v63  }
0x65: {  	_ =	swait.ge [sflag:s21], $0x4000  }
0x66: {  	[sflag:s21] =	ssyncset.done $0x0  }
0x67: {  	s31 =	simm.s32 $0x14A80;
	[sflag:s21] =	ssyncadd.s32 $0xFFFFC000  }
0x68: {  	[spmem:s3] =	stream.indirect.scatter.add.f32 [tilespmem:s20], [sflag:$0x4], $0x80, s31, s17, $0xb8;
	[tilespmem:$0x1D400] =	vst v63  }
0x69: {  	_ =	swait.ge [sflag:s23], $0x4000  }
0x6a: {  	[sflag:s23] =	ssyncset.done $0x0  }
0x6b: {  	s31 =	simm.s32 $0x13F00;
	[sflag:s23] =	ssyncadd.s32 $0xFFFFC000  }
0x6c: {  	[tilespmem:s18], [sflag:$0x1] =	stream.indirect.gather [hbm4b:s1+s17], $0x80, s31, s17, $0xb8;
	[tilespmem:$0x1D400] =	vst v63  }
0x6d: {  	_ =	swait.ge [sflag:s25], $0x4000  }
0x6e: {  	[sflag:s25] =	ssyncset.done $0x0  }
0x6f: {  	s31 =	simm.s32 $0x13F80;
	[sflag:s25] =	ssyncadd.s32 $0xFFFFC000  }
0x70: {  	[tilespmem:s20], [sflag:$0x2] =	stream.indirect.gather [hbm4b:s1+s17], $0x80, s31, s17, $0xb8;
	[tilespmem:$0x1D400] =	vst v63  }
0x71: {  	_ =	swait.ge [sflag:s6], $0x4000  }
0x72: {  	[sflag:s6] =	ssyncset.done $0x0  }
0x73: {  	s31 =	simm.s32 $0x14B00;
	[sflag:s6] =	ssyncadd.s32 $0xFFFFC000  }
0x74: {  	[spmem:s3] =	stream.indirect.scatter.add.f32 [tilespmem:s18], [sflag:$0x3], $0x80, s31, s17, $0xb8;
	[tilespmem:$0x1D400] =	vst v63  }
0x75: {  	_ =	swait.ge [sflag:s21], $0x4000  }
0x76: {  	[sflag:s21] =	ssyncset.done $0x0  }
0x77: {  	s31 =	simm.s32 $0x14B80;
	[sflag:s21] =	ssyncadd.s32 $0xFFFFC000  }
0x78: {  	[spmem:s3] =	stream.indirect.scatter.add.f32 [tilespmem:s20], [sflag:$0x4], $0x80, s31, s17, $0xb8;
	[tilespmem:$0x1D400] =	vst v63  }
0x79: {  	_ =	swait.ge [sflag:s23], $0x4000  }
0x7a: {  	[sflag:s23] =	ssyncset.done $0x0  }
0x7b: {  	s31 =	simm.s32 $0x14000;
	[sflag:s23] =	ssyncadd.s32 $0xFFFFC000  }
0x7c: {  	[tilespmem:s18], [sflag:$0x1] =	stream.indirect.gather [hbm4b:s1+s17], $0x80, s31, s17, $0xb8;
	[tilespmem:$0x1D400] =	vst v63  }
0x7d: {  	_ =	swait.ge [sflag:s25], $0x4000  }
0x7e: {  	[sflag:s25] =	ssyncset.done $0x0  }
0x7f: {  	s31 =	simm.s32 $0x14080;
	[sflag:s25] =	ssyncadd.s32 $0xFFFFC000  }
0x80: {  	[tilespmem:s20], [sflag:$0x2] =	stream.indirect.gather [hbm4b:s1+s17], $0x80, s31, s17, $0xb8;
	[tilespmem:$0x1D400] =	vst v63  }
0x81: {  	_ =	swait.ge [sflag:s6], $0x4000  }
0x82: {  	[sflag:s6] =	ssyncset.done $0x0  }
0x83: {  	s31 =	simm.s32 $0x14C00;
	[sflag:s6] =	ssyncadd.s32 $0xFFFFC000  }
0x84: {  	[spmem:s3] =	stream.indirect.scatter.add.f32 [tilespmem:s18], [sflag:$0x3], $0x80, s31, s17, $0xb8;
	[tilespmem:$0x1D400] =	vst v63  }
0x85: {  	_ =	swait.ge [sflag:s21], $0x4000  }
0x86: {  	[sflag:s21] =	ssyncset.done $0x0  }
0x87: {  	s31 =	simm.s32 $0x14C80;
	[sflag:s21] =	ssyncadd.s32 $0xFFFFC000  }
0x88: {  	[spmem:s3] =	stream.indirect.scatter.add.f32 [tilespmem:s20], [sflag:$0x4], $0x80, s31, s17, $0xb8;
	[tilespmem:$0x1D400] =	vst v63  }
0x89: {  	_ =	swait.ge [sflag:s23], $0x4000  }
0x8a: {  	[sflag:s23] =	ssyncset.done $0x0  }
0x8b: {  	s31 =	simm.s32 $0x14100;
	[sflag:s23] =	ssyncadd.s32 $0xFFFFC000  }
0x8c: {  	[tilespmem:s18], [sflag:$0x1] =	stream.indirect.gather [hbm4b:s1+s17], $0x80, s31, s17, $0xb8;
	[tilespmem:$0x1D400] =	vst v63  }
0x8d: {  	_ =	swait.ge [sflag:s25], $0x4000  }
0x8e: {  	[sflag:s25] =	ssyncset.done $0x0  }
0x8f: {  	s31 =	simm.s32 $0x14180;
	[sflag:s25] =	ssyncadd.s32 $0xFFFFC000  }
0x90: {  	[tilespmem:s20], [sflag:$0x2] =	stream.indirect.gather [hbm4b:s1+s17], $0x80, s31, s17, $0xb8;
	[tilespmem:$0x1D400] =	vst v63  }
0x91: {  	_ =	swait.ge [sflag:s6], $0x4000  }
0x92: {  	[sflag:s6] =	ssyncset.done $0x0  }
0x93: {  	s31 =	simm.s32 $0x14D00;
	[sflag:s6] =	ssyncadd.s32 $0xFFFFC000  }
0x94: {  	[spmem:s3] =	stream.indirect.scatter.add.f32 [tilespmem:s18], [sflag:$0x3], $0x80, s31, s17, $0xb8;
	[tilespmem:$0x1D400] =	vst v63  }
0x95: {  	_ =	swait.ge [sflag:s21], $0x4000  }
0x96: {  	[sflag:s21] =	ssyncset.done $0x0  }
0x97: {  	s31 =	simm.s32 $0x14D80;
	[sflag:s21] =	ssyncadd.s32 $0xFFFFC000  }
0x98: {  	[spmem:s3] =	stream.indirect.scatter.add.f32 [tilespmem:s20], [sflag:$0x4], $0x80, s31, s17, $0xb8;
	[tilespmem:$0x1D400] =	vst v63  }
0x99: {  	_ =	swait.ge [sflag:s23], $0x4000  }
0x9a: {  	[sflag:s23] =	ssyncset.done $0x0  }
0x9b: {  	s31 =	simm.s32 $0x14200;
	[sflag:s23] =	ssyncadd.s32 $0xFFFFC000  }
0x9c: {  	[tilespmem:s18], [sflag:$0x1] =	stream.indirect.gather [hbm4b:s1+s17], $0x80, s31, s17, $0xb8;
	[tilespmem:$0x1D400] =	vst v63  }
0x9d: {  	_ =	swait.ge [sflag:s25], $0x4000  }
0x9e: {  	[sflag:s25] =	ssyncset.done $0x0  }
0x9f: {  	s31 =	simm.s32 $0x14280;
	[sflag:s25] =	ssyncadd.s32 $0xFFFFC000  }
0xa0: {  	[tilespmem:s20], [sflag:$0x2] =	stream.indirect.gather [hbm4b:s1+s17], $0x80, s31, s17, $0xb8;
	[tilespmem:$0x1D400] =	vst v63  }
0xa1: {  	_ =	swait.ge [sflag:s6], $0x4000  }
0xa2: {  	[sflag:s6] =	ssyncset.done $0x0  }
0xa3: {  	s31 =	simm.s32 $0x14E00;
	[sflag:s6] =	ssyncadd.s32 $0xFFFFC000  }
0xa4: {  	[spmem:s3] =	stream.indirect.scatter.add.f32 [tilespmem:s18], [sflag:$0x3], $0x80, s31, s17, $0xb8;
	[tilespmem:$0x1D400] =	vst v63  }
0xa5: {  	_ =	swait.ge [sflag:s21], $0x4000  }
0xa6: {  	[sflag:s21] =	ssyncset.done $0x0  }
0xa7: {  	[sflag:s21] =	ssyncadd.s32 $0xFFFFC000  }
0xa8: {  	[spmem:s3] =	stream.indirect.scatter.add.f32 [tilespmem:s20], [sflag:$0x4], $0x80, s2, s17, $0xb8;
	[tilespmem:$0x1D400] =	vst v63  }
0xa9: {  	_ =	swait.ge [sflag:s23], $0x4000  }
0xaa: {  	[sflag:s23] =	ssyncset.done $0x0  }
0xab: {  	[sflag:s23] =	ssyncadd.s32 $0xFFFFC000  }
0xac: {  	[tilespmem:s18], [sflag:$0x1] =	stream.indirect.gather [hbm4b:s1+s17], $0x80, s0, s17, $0xb8;
	[tilespmem:$0x1D400] =	vst v63  }
0xad: {  	_ =	swait.ge [sflag:s25], $0x4000  }
0xae: {  	[sflag:s25] =	ssyncset.done $0x0  }
0xaf: {  	[sflag:s25] =	ssyncadd.s32 $0xFFFFC000  }
0xb0: {  	[tilespmem:s20], [sflag:$0x2] =	stream.indirect.gather [hbm4b:s1+s17], $0x80, s5, s17, $0xb8;
	[tilespmem:$0x1D400] =	vst v63  }
0xb1: {  	_ =	swait.ge [sflag:s6], $0x4000  }
0xb2: {  	[sflag:s6] =	ssyncset.done $0x0  }
0xb3: {  	[sflag:s6] =	ssyncadd.s32 $0xFFFFC000  }
0xb4: {  	[spmem:s3] =	stream.indirect.scatter.add.f32 [tilespmem:s18], [sflag:$0x3], $0x80, s9, s17, $0xb8;
	[tilespmem:$0x1D400] =	vst v63  }
0xb5: {  	_ =	swait.ge [sflag:s21], $0x4000  }
0xb6: {  	[sflag:s21] =	ssyncset.done $0x0  }
0xb7: {  	[sflag:s21] =	ssyncadd.s32 $0xFFFFC000  }
0xb8: {  	[spmem:s3] =	stream.indirect.scatter.add.f32 [tilespmem:s20], [sflag:$0x4], $0x80, s10, s17, $0xb8;
	[tilespmem:$0x1D400] =	vst v63  }
0xb9: {  	_ =	swait.ge [sflag:s23], $0x4000  }
0xba: {  	[sflag:s23] =	ssyncset.done $0x0  }
0xbb: {  	[sflag:s23] =	ssyncadd.s32 $0xFFFFC000  }
0xbc: {  	[tilespmem:s18], [sflag:$0x1] =	stream.indirect.gather [hbm4b:s1+s17], $0x80, s11, s17, $0xb8;
	[tilespmem:$0x1D400] =	vst v63  }
0xbd: {  	_ =	swait.ge [sflag:s25], $0x4000  }
0xbe: {  	[sflag:s25] =	ssyncset.done $0x0  }
0xbf: {  	[sflag:s25] =	ssyncadd.s32 $0xFFFFC000  }
0xc0: {  	[tilespmem:s20], [sflag:$0x2] =	stream.indirect.gather [hbm4b:s1+s17], $0x80, s12, s17, $0xb8;
	[tilespmem:$0x1D400] =	vst v63  }
0xc1: {  	_ =	swait.ge [sflag:s6], $0x4000  }
0xc2: {  	[sflag:s6] =	ssyncset.done $0x0  }
0xc3: {  	[sflag:s6] =	ssyncadd.s32 $0xFFFFC000  }
0xc4: {  	[spmem:s3] =	stream.indirect.scatter.add.f32 [tilespmem:s18], [sflag:$0x3], $0x80, s8, s17, $0xb8;
	[tilespmem:$0x1D400] =	vst v63  }
0xc5: {  	_ =	swait.ge [sflag:s21], $0x4000  }
0xc6: {  	[sflag:s21] =	ssyncset.done $0x0  }
0xc7: {  	[sflag:s21] =	ssyncadd.s32 $0xFFFFC000  }
0xc8: {  	[spmem:s3] =	stream.indirect.scatter.add.f32 [tilespmem:s20], [sflag:$0x4], $0x80, s13, s17, $0xb8;
	[tilespmem:$0x1D400] =	vst v63  }
0xc9: {  	_ =	swait.ge [sflag:s23], $0x4000  }
0xca: {  	[sflag:s23] =	ssyncset.done $0x0  }
0xcb: {  	[sflag:s23] =	ssyncadd.s32 $0xFFFFC000  }
0xcc: {  	[tilespmem:s18], [sflag:$0x1] =	stream.indirect.gather [hbm4b:s1+s17], $0x80, s19, s17, $0xb8;
	[tilespmem:$0x1D400] =	vst v63  }
0xcd: {  	_ =	swait.ge [sflag:s25], $0x4000  }
0xce: {  	[sflag:s25] =	ssyncset.done $0x0  }
0xcf: {  	[sflag:s25] =	ssyncadd.s32 $0xFFFFC000  }
0xd0: {  	[tilespmem:s20], [sflag:$0x2] =	stream.indirect.gather [hbm4b:s1+s17], $0x80, s22, s17, $0xb8;
	[tilespmem:$0x1D400] =	vst v63  }
0xd1: {  	_ =	swait.ge [sflag:s6], $0x4000  }
0xd2: {  	[sflag:s6] =	ssyncset.done $0x0  }
0xd3: {  	[sflag:s6] =	ssyncadd.s32 $0xFFFFC000  }
0xd4: {  	[spmem:s3] =	stream.indirect.scatter.add.f32 [tilespmem:s18], [sflag:$0x3], $0x80, s24, s17, $0xb8;
	[tilespmem:$0x1D400] =	vst v63  }
0xd5: {  	_ =	swait.ge [sflag:s21], $0x4000  }
0xd6: {  	[sflag:s21] =	ssyncset.done $0x0  }
0xd7: {  	[sflag:s21] =	ssyncadd.s32 $0xFFFFC000  }
0xd8: {  	[spmem:s3] =	stream.indirect.scatter.add.f32 [tilespmem:s20], [sflag:$0x4], $0x80, s26, s17, $0xb8;
	[tilespmem:$0x1D400] =	vst v63  }
0xd9: {  	_ =	swait.ge [sflag:s23], $0x4000  }
.Ltmp5:
0xda: {  	[sflag:s23] =	ssyncset.done $0x0;
	(pc) =	sbr.rel .LBB2_4-.Ltmp5, $4  }
0xdb: {  	[sflag:s23] =	ssyncadd.s32 $0xFFFFC000  }
0xdc: {  	_ =	swait.ge [sflag:s25], $0x4000  }
0xdd: {  	[sflag:s25] =	ssyncset.done $0x0  }
0xde: {  	[sflag:s25] =	ssyncadd.s32 $0xFFFFC000  }
.LBB2_6:
0xdf: {  	_ =	sfence.sel $0x180000  }
0xe0: {  	[bflag:$0x0] =	sbarrier.arrive $0xFFFF  }
0xe1: {  	_ =	strace $0x9000004D  }
0xe2: {  	s0 =	stileid.u32;
	[bflag:$0x2] =	sbarrier.arrive $0xFFFF  }
0xe3: {  	p0 =	sne.s32 s0, $0x0;
	s0 =	rddreg [dreg:$0x3]  }
0xe4: {  	s0 =	sadd.s32 @!p0 $0x100000, s0  }
0xe5: {  	[sflag:s0] =	ssyncadd.tile.s32 @!p0 $0x1;
	_ =	shalt  }
.Lfunc_end2:
_tile_overlayer_lowered:
.L_overlay_start_2:
0xe6: {  	(tag) =	ssettag $0x2  }
0xe7: {  	s0 =	rddreg [dreg:$0x0];
	s2 =	stileid.u32  }
0xe8: {  	s1 =	rddreg [dreg:$0x1];
	p0 =	sne.s32 s2, $0x0  }
0xe9: {  	s3 =	rddreg [dreg:$0x2];
	[bflag:$0x3] =	sbarrier.arrive $0xFFFF;
	s2 =	simm.s32 @!p0 $0x1C05  }
0xea: {  	[timem:s3], [sflag:s2] =	dma.local @!p0 [hbm:s0], s1  }
0xeb: {  	s0 =	simm.s32 @!p0 $0x5  }
0xec: {  	_ =	swait.ge @!p0 [sflag:s0], s1  }
0xed: {  	s1 =	ssub.s32 @!p0 $0x0, s1;
	[sflag:s0] =	ssyncset.done @!p0 $0x0  }
0xee: {  	[sflag:s0] =	ssyncadd.s32 @!p0 s1  }
0xef: {  	[bflag:$0x3] =	sbarrier.arrive $0xFFFF  }
0xf0: {  	_ =	shalt  }

</sc_bundles>
